<compile_context>
chip_gen: v7x
topology: tpu7x:2x2x1
jax: 0.10.2.dev20260603
libtpu: 0.0.44.dev20260713+nightly
codegen_flags: <defaults>
</compile_context>

<pallas_src>
import functools

import jax
import jax.numpy as jnp
from jax import lax
from jax.experimental import pallas as pl
from jax.experimental.pallas import tpu as pltpu
from jax.experimental.pallas import tpu_sc as plsc

N = 10000
DIN = 128
DH = 128
DC = 64
E = 320000

NC = 2
NS = 16
NW = NC * NS

N_PAD = 10240
ZROWS = N_PAD // NS

E_ALL = E + N
CHUNK = 128
NCHUNK = -(-E_ALL // (NW * CHUNK))
EPT = NCHUNK * CHUNK
E_PAD = EPT * NW

_MESH = plsc.VectorSubcoreMesh(core_axis_name="c", subcore_axis_name="s")


def _make_sc_scatter(D):

    @functools.partial(
        pl.kernel,
        out_type=jax.ShapeDtypeStruct((NC, N_PAD, D), jnp.float32),
        mesh=_MESH,
        compiler_params=pltpu.CompilerParams(use_tc_tiling_on_sc=False),
        scratch_types=[
            pltpu.VMEM((CHUNK,), jnp.int32),
            pltpu.VMEM((CHUNK,), jnp.int32),
            pltpu.VMEM((CHUNK, D), jnp.float32),
            pltpu.VMEM_SHARED((N_PAD, D), jnp.float32),
        ],
    )
    def sc_scatter(g_hbm, src_hbm, dst_hbm, zeros_hbm, out_hbm,
                   src_v, dst_v, rows_v, acc_sh):
        cid = lax.axis_index("c")
        sid = lax.axis_index("s")
        wid = sid * NC + cid
        pltpu.sync_copy(zeros_hbm, acc_sh.at[pl.ds(sid * ZROWS, ZROWS)])
        plsc.subcore_barrier()

        def body(j, carry):
            off = wid * EPT + j * CHUNK
            pltpu.sync_copy(src_hbm.at[pl.ds(off, CHUNK)], src_v)
            pltpu.sync_copy(dst_hbm.at[pl.ds(off, CHUNK)], dst_v)
            pltpu.sync_copy(g_hbm.at[src_v], rows_v)
            pltpu.sync_copy(rows_v, acc_sh.at[dst_v], add=True)
            return carry

        lax.fori_loop(0, NCHUNK, body, 0)
        plsc.subcore_barrier()
        pltpu.sync_copy(acc_sh.at[pl.ds(sid * ZROWS, ZROWS)],
                        out_hbm.at[cid, pl.ds(sid * ZROWS, ZROWS)])

    return sc_scatter


_sc_scatter_h = _make_sc_scatter(DH)
_sc_scatter_c = _make_sc_scatter(DC)


@functools.partial(
    pl.kernel,
    out_type=jax.ShapeDtypeStruct((NC, N_PAD), jnp.float32),
    mesh=_MESH,
    scratch_types=[
        pltpu.VMEM((CHUNK,), jnp.int32),
        pltpu.VMEM((CHUNK,), jnp.float32),
        pltpu.VMEM_SHARED((N_PAD,), jnp.float32),
    ],
)
def _sc_deg(dst_hbm, ones_hbm, zeros_hbm, out_hbm, dst_v, ones_v, acc_sh):
    cid = lax.axis_index("c")
    sid = lax.axis_index("s")
    wid = sid * NC + cid
    pltpu.sync_copy(zeros_hbm, acc_sh.at[pl.ds(sid * ZROWS, ZROWS)])
    pltpu.sync_copy(ones_hbm, ones_v)
    plsc.subcore_barrier()

    def body(j, carry):
        off = wid * EPT + j * CHUNK
        pltpu.sync_copy(dst_hbm.at[pl.ds(off, CHUNK)], dst_v)
        pltpu.sync_copy(ones_v, acc_sh.at[dst_v], add=True)
        return carry

    lax.fori_loop(0, NCHUNK, body, 0)
    plsc.subcore_barrier()
    pltpu.sync_copy(acc_sh.at[pl.ds(sid * ZROWS, ZROWS)],
                    out_hbm.at[cid, pl.ds(sid * ZROWS, ZROWS)])


_R = 1280


def _tc_a_body(x_ref, w_ref, deg_ref, g_ref, dinv_ref):
    deg = deg_ref[:, 0:1] + deg_ref[:, 1:2]
    dinv = jnp.where(deg > 0, lax.rsqrt(deg), 0.0)
    h = jnp.dot(x_ref[...], w_ref[...], preferred_element_type=jnp.float32)
    g_ref[...] = h * dinv
    dinv_ref[...] = dinv


def _tc_a(x_pad, W1, deg_pair):
    return pl.pallas_call(
        _tc_a_body,
        grid=(N_PAD // _R,),
        in_specs=[
            pl.BlockSpec((_R, DIN), lambda i: (i, 0)),
            pl.BlockSpec((DIN, DH), lambda i: (0, 0)),
            pl.BlockSpec((_R, 2), lambda i: (i, 0)),
        ],
        out_specs=[
            pl.BlockSpec((_R, DH), lambda i: (i, 0)),
            pl.BlockSpec((_R, 1), lambda i: (i, 0)),
        ],
        out_shape=[
            jax.ShapeDtypeStruct((N_PAD, DH), jnp.float32),
            jax.ShapeDtypeStruct((N_PAD, 1), jnp.float32),
        ],
    )(x_pad, W1, deg_pair)


def _tc_b_body(s_ref, dinv_ref, b_ref, w_ref, g2_ref):
    dinv = dinv_ref[...]
    z = (s_ref[0] + s_ref[1]) * dinv + b_ref[...]
    h = jnp.maximum(z, 0.0)
    h2 = jnp.dot(h, w_ref[...], preferred_element_type=jnp.float32)
    g2_ref[...] = h2 * dinv


def _tc_b(s1, dinv, b1, W3):
    return pl.pallas_call(
        _tc_b_body,
        grid=(N_PAD // _R,),
        in_specs=[
            pl.BlockSpec((NC, _R, DH), lambda i: (0, i, 0)),
            pl.BlockSpec((_R, 1), lambda i: (i, 0)),
            pl.BlockSpec((1, DH), lambda i: (0, 0)),
            pl.BlockSpec((DH, DC), lambda i: (0, 0)),
        ],
        out_specs=pl.BlockSpec((_R, DC), lambda i: (i, 0)),
        out_shape=jax.ShapeDtypeStruct((N_PAD, DC), jnp.float32),
    )(s1, dinv, b1, W3)


def _tc_c_body(s_ref, dinv_ref, b_ref, out_ref):
    out_ref[...] = (s_ref[0] + s_ref[1]) * dinv_ref[...] + b_ref[...]


def _tc_c(s2, dinv, b3):
    return pl.pallas_call(
        _tc_c_body,
        grid=(N_PAD // _R,),
        in_specs=[
            pl.BlockSpec((NC, _R, DC), lambda i: (0, i, 0)),
            pl.BlockSpec((_R, 1), lambda i: (i, 0)),
            pl.BlockSpec((1, DC), lambda i: (0, 0)),
        ],
        out_specs=pl.BlockSpec((_R, DC), lambda i: (i, 0)),
        out_shape=jax.ShapeDtypeStruct((N_PAD, DC), jnp.float32),
    )(s2, dinv, b3)


def kernel(x, edge_index, W1, b1, W3, b3):
    src = edge_index[0].astype(jnp.int32)
    dst = edge_index[1].astype(jnp.int32)
    loop = jnp.arange(N, dtype=jnp.int32)
    pad_s = jnp.zeros((E_PAD - E_ALL,), jnp.int32)
    pad_d = jnp.full((E_PAD - E_ALL,), N, jnp.int32)
    src_all = jnp.concatenate([src, loop, pad_s])
    dst_all = jnp.concatenate([dst, loop, pad_d])

    zeros_h = jnp.zeros((ZROWS, DH), jnp.float32)
    zeros_c = jnp.zeros((ZROWS, DC), jnp.float32)
    zeros_1 = jnp.zeros((ZROWS,), jnp.float32)
    ones_k = jnp.ones((CHUNK,), jnp.float32)

    deg2 = _sc_deg(dst_all, ones_k, zeros_1)
    deg_pair = deg2.T

    x_pad = jnp.zeros((N_PAD, DIN), jnp.float32).at[:N].set(x)
    g1, dinv = _tc_a(x_pad, W1, deg_pair)
    s1 = _sc_scatter_h(g1, src_all, dst_all, zeros_h)
    g2 = _tc_b(s1, dinv, b1.reshape(1, DH), W3)
    s2 = _sc_scatter_c(g2, src_all, dst_all, zeros_c)
    out = _tc_c(s2, dinv, b3.reshape(1, DC))
    return out[:N]

# --- scband reference (transcript-rebuilt; emitter-appended) ---
"""Pipeline reference for scband-gnn-10986526343434 (READ-ONLY COPY).

The authoritative reference and input builder live on the scoring server;
editing this copy changes nothing except your own understanding.
"""

import jax, jax.numpy as jnp
import numpy as np

N_NODES = 10000
D_IN = 128
D_HID = 128
N_CLASSES = 64
N_EDGES = 320000


def gcn_layer(x, src, dst, W, b):
    # PyG GCNConv: add self-loops, symmetric normalization, then X W aggregation
    n = x.shape[0]
    loop = jnp.arange(n, dtype=src.dtype)
    s = jnp.concatenate([src, loop])
    d = jnp.concatenate([dst, loop])
    deg = jnp.zeros((n,), dtype=x.dtype).at[d].add(1.0)
    dinv = jnp.where(deg > 0, jax.lax.rsqrt(deg), 0.0)
    norm = dinv[s] * dinv[d]
    h = x @ W
    msg = jnp.take(h, s, axis=0) * norm[:, None]
    out = jax.ops.segment_sum(msg, d, num_segments=n)
    return out + b


def setup_inputs(seed: int = 0) -> dict:
    key = jax.random.key(seed)
    k1, k2, k3, k4 = jax.random.split(key, 4)
    x = jax.random.normal(k1, (N_NODES, D_IN), dtype=jnp.float32)
    edge_index = jax.random.randint(k2, (2, N_EDGES), 0, N_NODES).astype(jnp.int32)
    W1 = jax.random.normal(k3, (D_IN, D_HID), dtype=jnp.float32) * (1.0 / np.sqrt(D_IN))
    b1 = jnp.zeros((D_HID,), dtype=jnp.float32)
    W3 = jax.random.normal(k4, (D_HID, N_CLASSES), dtype=jnp.float32) * (1.0 / np.sqrt(D_HID))
    b3 = jnp.zeros((N_CLASSES,), dtype=jnp.float32)
    return {"x": x, "edge_index": edge_index, "W1": W1, "b1": b1, "W3": W3, "b3": b3}


def reference(x, edge_index, W1, b1, W3, b3):
    src = edge_index[0]
    dst = edge_index[1]
    h = gcn_layer(x, src, dst, W1, b1)
    h = jax.nn.relu(h)
    # dropout is identity in eval mode (training=False)
    out = gcn_layer(h, src, dst, W3, b3)
    return out

if __name__ == "__main__":
    import jax
    _d = setup_inputs()
    print(jax.jit(kernel)(*tuple(_d.values())))

</pallas_src>

<mosaic_0001>
#map = affine_map<(d0, d1) -> (0)>
#map1 = affine_map<(d0, d1) -> (0, 0)>
module attributes {stable_mosaic.version = 14 : i64} {
  func.func @_sc_deg(%arg0: i32, %arg1: i32, %arg2: memref<331776xi32, #tpu.memory_space<hbm>>, %arg3: memref<128xf32, #tpu.memory_space<hbm>>, %arg4: memref<640xf32, #tpu.memory_space<hbm>>, %arg5: memref<2x10240xf32, #tpu.memory_space<hbm>>, %arg6: memref<128xi32, #tpu.memory_space<vmem>>, %arg7: memref<128xf32, #tpu.memory_space<vmem>>, %arg8: memref<10240xf32, #tpu.memory_space<vmem_shared>>) attributes {dimension_semantics = [#tpu.dimension_semantics<core_parallel>, #tpu.dimension_semantics<subcore_parallel>], iteration_bounds = array<i64: 2, 16>, scalar_prefetch = 0 : i64, scratch_operands = 3 : i64, tpu.core_type = #tpu.core_type<sc_vector_subcore>, window_params = [{transform_indices = #map}, {transform_indices = #map}, {transform_indices = #map}, {transform_indices = #map1}]} {
    %mul3A = arith.constant 2 : i32
    %mul3A_0 = arith.muli %arg1, %mul3A : i32
    %add3A = arith.addi %mul3A_0, %arg0 : i32
    %mul3A_1 = arith.constant 640 : i32
    %mul3A_2 = arith.muli %arg1, %mul3A_1 : i32
    "tpu.region"() ({
      %run_scoped3A = tpu.sem_alloc : memref<!tpu.dma_semaphore, #tpu.memory_space<semaphore_mem>>
      %dma_start3A = tpu.memref_slice %arg8[%mul3A_2] : memref<10240xf32, #tpu.memory_space<vmem_shared>> -> memref<640xf32, #tpu.memory_space<vmem_shared>>
      tpu.enqueue_dma source(%arg4 : memref<640xf32, #tpu.memory_space<hbm>>) target(%dma_start3A : memref<640xf32, #tpu.memory_space<vmem_shared>>) target_semaphore(%run_scoped3A : memref<!tpu.dma_semaphore, #tpu.memory_space<semaphore_mem>>)
      %dma_wait3A = tpu.memref_slice %arg8[%mul3A_2] : memref<10240xf32, #tpu.memory_space<vmem_shared>> -> memref<640xf32, #tpu.memory_space<vmem_shared>>
      tpu.wait_dma2 semaphore(%run_scoped3A : memref<!tpu.dma_semaphore, #tpu.memory_space<semaphore_mem>>) src(%arg4 : memref<640xf32, #tpu.memory_space<hbm>>) dst(%dma_wait3A : memref<640xf32, #tpu.memory_space<vmem_shared>>)
      tpu.yield
    }) : () -> ()
    "tpu.region"() ({
      %run_scoped3A = tpu.sem_alloc : memref<!tpu.dma_semaphore, #tpu.memory_space<semaphore_mem>>
      tpu.enqueue_dma source(%arg3 : memref<128xf32, #tpu.memory_space<hbm>>) target(%arg7 : memref<128xf32, #tpu.memory_space<vmem>>) target_semaphore(%run_scoped3A : memref<!tpu.dma_semaphore, #tpu.memory_space<semaphore_mem>>)
      tpu.wait_dma2 semaphore(%run_scoped3A : memref<!tpu.dma_semaphore, #tpu.memory_space<semaphore_mem>>) src(%arg3 : memref<128xf32, #tpu.memory_space<hbm>>) dst(%arg7 : memref<128xf32, #tpu.memory_space<vmem>>)
      tpu.yield
    }) : () -> ()
    %barrier3A = arith.constant 0 : index
    tpu.barrier barrier_id(%barrier3A)
    %scan3A = arith.constant 0 : i32
    %scan3A_3 = arith.constant 0 : i32
    %scan3A_4 = arith.constant 81 : i32
    %scan3A_5 = arith.addi %scan3A_3, %scan3A_4 : i32
    %scan3A_6 = arith.constant 1 : i32
    scf.for %scan3A_13 = %scan3A_3 to %scan3A_5 step %scan3A_6  : i32 {
      %mul3A_14 = arith.constant 10368 : i32
      %mul3A_15 = arith.muli %add3A, %mul3A_14 : i32
      %mul3A_16 = arith.constant 128 : i32
      %mul3A_17 = arith.muli %scan3A_13, %mul3A_16 : i32
      %add3A_18 = arith.addi %mul3A_15, %mul3A_17 : i32
      "tpu.region"() ({
        %run_scoped3A = tpu.sem_alloc : memref<!tpu.dma_semaphore, #tpu.memory_space<semaphore_mem>>
        %dma_start3A = tpu.memref_slice %arg2[%add3A_18] : memref<331776xi32, #tpu.memory_space<hbm>> -> memref<128xi32, #tpu.memory_space<hbm>>
        %dma_start3A_19 = tpu.memref_slice %arg2[%add3A_18] : memref<331776xi32, #tpu.memory_space<hbm>> -> memref<128xi32, #tpu.memory_space<hbm>>
        tpu.enqueue_dma source(%dma_start3A_19 : memref<128xi32, #tpu.memory_space<hbm>>) target(%arg6 : memref<128xi32, #tpu.memory_space<vmem>>) target_semaphore(%run_scoped3A : memref<!tpu.dma_semaphore, #tpu.memory_space<semaphore_mem>>)
        %dma_wait3A = tpu.memref_slice %arg2[%add3A_18] : memref<331776xi32, #tpu.memory_space<hbm>> -> memref<128xi32, #tpu.memory_space<hbm>>
        %dma_wait3A_20 = tpu.memref_slice %arg2[%add3A_18] : memref<331776xi32, #tpu.memory_space<hbm>> -> memref<128xi32, #tpu.memory_space<hbm>>
        tpu.wait_dma2 semaphore(%run_scoped3A : memref<!tpu.dma_semaphore, #tpu.memory_space<semaphore_mem>>) src(%dma_wait3A_20 : memref<128xi32, #tpu.memory_space<hbm>>) dst(%arg6 : memref<128xi32, #tpu.memory_space<vmem>>)
        tpu.yield
      }) : () -> ()
      "tpu.region"() ({
        %run_scoped3A = tpu.sem_alloc : memref<!tpu.dma_semaphore, #tpu.memory_space<semaphore_mem>>
        %dma_start3A = arith.constant 0 : i32
        %dma_start3A_19 = tpu.memref_slice %arg8[%dma_start3A] : memref<10240xf32, #tpu.memory_space<vmem_shared>> -> memref<10240xf32, #tpu.memory_space<vmem_shared>>
        tpu.enqueue_indirect_dma source(%arg7 : memref<128xf32, #tpu.memory_space<vmem>>) target(%dma_start3A_19 : memref<10240xf32, #tpu.memory_space<vmem_shared>>) offsets(%arg6 : memref<128xi32, #tpu.memory_space<vmem>>) semaphore(%run_scoped3A : memref<!tpu.dma_semaphore, #tpu.memory_space<semaphore_mem>>) {add = true}
        %dma_wait3A = arith.constant 0 : i32
        %dma_wait3A_20 = tpu.memref_slice %arg8[%dma_wait3A] : memref<10240xf32, #tpu.memory_space<vmem_shared>> -> memref<10240xf32, #tpu.memory_space<vmem_shared>>
        tpu.wait_indirect_dma semaphore(%run_scoped3A : memref<!tpu.dma_semaphore, #tpu.memory_space<semaphore_mem>>) src(%arg7 : memref<128xf32, #tpu.memory_space<vmem>>) dst(%dma_wait3A_20 : memref<10240xf32, #tpu.memory_space<vmem_shared>>)
        tpu.yield
      }) : () -> ()
    }
    %scan3A_7 = arith.constant 81 : i32
    %barrier3A_8 = arith.constant 0 : index
    tpu.barrier barrier_id(%barrier3A_8)
    %mul3A_9 = arith.constant 640 : i32
    %mul3A_10 = arith.muli %arg1, %mul3A_9 : i32
    %mul3A_11 = arith.constant 640 : i32
    %mul3A_12 = arith.muli %arg1, %mul3A_11 : i32
    "tpu.region"() ({
      %run_scoped3A = tpu.sem_alloc : memref<!tpu.dma_semaphore, #tpu.memory_space<semaphore_mem>>
      %dma_start3A = tpu.memref_slice %arg5[%arg0, %mul3A_12] : memref<2x10240xf32, #tpu.memory_space<hbm>> -> memref<1x640xf32, #tpu.memory_space<hbm>>
      %dma_start3A_13 = tpu.memref_squeeze %dma_start3A : memref<1x640xf32, #tpu.memory_space<hbm>> -> memref<640xf32, #tpu.memory_space<hbm>>
      %dma_start3A_14 = tpu.memref_slice %arg8[%mul3A_10] : memref<10240xf32, #tpu.memory_space<vmem_shared>> -> memref<640xf32, #tpu.memory_space<vmem_shared>>
      tpu.enqueue_dma source(%dma_start3A_14 : memref<640xf32, #tpu.memory_space<vmem_shared>>) target(%dma_start3A_13 : memref<640xf32, #tpu.memory_space<hbm>>) target_semaphore(%run_scoped3A : memref<!tpu.dma_semaphore, #tpu.memory_space<semaphore_mem>>)
      %dma_wait3A = tpu.memref_slice %arg5[%arg0, %mul3A_12] : memref<2x10240xf32, #tpu.memory_space<hbm>> -> memref<1x640xf32, #tpu.memory_space<hbm>>
      %dma_wait3A_15 = tpu.memref_squeeze %dma_wait3A : memref<1x640xf32, #tpu.memory_space<hbm>> -> memref<640xf32, #tpu.memory_space<hbm>>
      %dma_wait3A_16 = tpu.memref_slice %arg8[%mul3A_10] : memref<10240xf32, #tpu.memory_space<vmem_shared>> -> memref<640xf32, #tpu.memory_space<vmem_shared>>
      tpu.wait_dma2 semaphore(%run_scoped3A : memref<!tpu.dma_semaphore, #tpu.memory_space<semaphore_mem>>) src(%dma_wait3A_16 : memref<640xf32, #tpu.memory_space<vmem_shared>>) dst(%dma_wait3A_15 : memref<640xf32, #tpu.memory_space<hbm>>)
      tpu.yield
    }) : () -> ()
    return
  }
}

#map = affine_map<(d0, d1) -> (0, 0)>
#map1 = affine_map<(d0, d1) -> (0)>
#map2 = affine_map<(d0, d1) -> (0, 0, 0)>
module attributes {stable_mosaic.version = 14 : i64} {
  func.func @sc_scatter(%arg0: i32, %arg1: i32, %arg2: memref<10240x128xf32, #tpu.memory_space<hbm>>, %arg3: memref<331776xi32, #tpu.memory_space<hbm>>, %arg4: memref<331776xi32, #tpu.memory_space<hbm>>, %arg5: memref<640x128xf32, #tpu.memory_space<hbm>>, %arg6: memref<2x10240x128xf32, #tpu.memory_space<hbm>>, %arg7: memref<128xi32, #tpu.memory_space<vmem>>, %arg8: memref<128xi32, #tpu.memory_space<vmem>>, %arg9: memref<128x128xf32, #tpu.memory_space<vmem>>, %arg10: memref<10240x128xf32, #tpu.memory_space<vmem_shared>>) attributes {dimension_semantics = [#tpu.dimension_semantics<core_parallel>, #tpu.dimension_semantics<subcore_parallel>], iteration_bounds = array<i64: 2, 16>, scalar_prefetch = 0 : i64, scratch_operands = 4 : i64, tpu.core_type = #tpu.core_type<sc_vector_subcore>, window_params = [{transform_indices = #map}, {transform_indices = #map1}, {transform_indices = #map1}, {transform_indices = #map}, {transform_indices = #map2}]} {
    %mul3A = arith.constant 2 : i32
    %mul3A_0 = arith.muli %arg1, %mul3A : i32
    %add3A = arith.addi %mul3A_0, %arg0 : i32
    %mul3A_1 = arith.constant 640 : i32
    %mul3A_2 = arith.muli %arg1, %mul3A_1 : i32
    "tpu.region"() ({
      %run_scoped3A = tpu.sem_alloc : memref<!tpu.dma_semaphore, #tpu.memory_space<semaphore_mem>>
      %dma_start3A = arith.constant 0 : i32
      %dma_start3A_13 = tpu.memref_slice %arg10[%mul3A_2, %dma_start3A] : memref<10240x128xf32, #tpu.memory_space<vmem_shared>> -> memref<640x128xf32, #tpu.memory_space<vmem_shared>>
      tpu.enqueue_dma source(%arg5 : memref<640x128xf32, #tpu.memory_space<hbm>>) target(%dma_start3A_13 : memref<640x128xf32, #tpu.memory_space<vmem_shared>>) target_semaphore(%run_scoped3A : memref<!tpu.dma_semaphore, #tpu.memory_space<semaphore_mem>>)
      %dma_wait3A = arith.constant 0 : i32
      %dma_wait3A_14 = tpu.memref_slice %arg10[%mul3A_2, %dma_wait3A] : memref<10240x128xf32, #tpu.memory_space<vmem_shared>> -> memref<640x128xf32, #tpu.memory_space<vmem_shared>>
      tpu.wait_dma2 semaphore(%run_scoped3A : memref<!tpu.dma_semaphore, #tpu.memory_space<semaphore_mem>>) src(%arg5 : memref<640x128xf32, #tpu.memory_space<hbm>>) dst(%dma_wait3A_14 : memref<640x128xf32, #tpu.memory_space<vmem_shared>>)
      tpu.yield
    }) : () -> ()
    %barrier3A = arith.constant 0 : index
    tpu.barrier barrier_id(%barrier3A)
    %scan3A = arith.constant 0 : i32
    %scan3A_3 = arith.constant 0 : i32
    %scan3A_4 = arith.constant 81 : i32
    %scan3A_5 = arith.addi %scan3A_3, %scan3A_4 : i32
    %scan3A_6 = arith.constant 1 : i32
    scf.for %scan3A_13 = %scan3A_3 to %scan3A_5 step %scan3A_6  : i32 {
      %mul3A_14 = arith.constant 10368 : i32
      %mul3A_15 = arith.muli %add3A, %mul3A_14 : i32
      %mul3A_16 = arith.constant 128 : i32
      %mul3A_17 = arith.muli %scan3A_13, %mul3A_16 : i32
      %add3A_18 = arith.addi %mul3A_15, %mul3A_17 : i32
      "tpu.region"() ({
        %run_scoped3A = tpu.sem_alloc : memref<!tpu.dma_semaphore, #tpu.memory_space<semaphore_mem>>
        %dma_start3A = tpu.memref_slice %arg3[%add3A_18] : memref<331776xi32, #tpu.memory_space<hbm>> -> memref<128xi32, #tpu.memory_space<hbm>>
        %dma_start3A_19 = tpu.memref_slice %arg3[%add3A_18] : memref<331776xi32, #tpu.memory_space<hbm>> -> memref<128xi32, #tpu.memory_space<hbm>>
        tpu.enqueue_dma source(%dma_start3A_19 : memref<128xi32, #tpu.memory_space<hbm>>) target(%arg7 : memref<128xi32, #tpu.memory_space<vmem>>) target_semaphore(%run_scoped3A : memref<!tpu.dma_semaphore, #tpu.memory_space<semaphore_mem>>)
        %dma_wait3A = tpu.memref_slice %arg3[%add3A_18] : memref<331776xi32, #tpu.memory_space<hbm>> -> memref<128xi32, #tpu.memory_space<hbm>>
        %dma_wait3A_20 = tpu.memref_slice %arg3[%add3A_18] : memref<331776xi32, #tpu.memory_space<hbm>> -> memref<128xi32, #tpu.memory_space<hbm>>
        tpu.wait_dma2 semaphore(%run_scoped3A : memref<!tpu.dma_semaphore, #tpu.memory_space<semaphore_mem>>) src(%dma_wait3A_20 : memref<128xi32, #tpu.memory_space<hbm>>) dst(%arg7 : memref<128xi32, #tpu.memory_space<vmem>>)
        tpu.yield
      }) : () -> ()
      "tpu.region"() ({
        %run_scoped3A = tpu.sem_alloc : memref<!tpu.dma_semaphore, #tpu.memory_space<semaphore_mem>>
        %dma_start3A = tpu.memref_slice %arg4[%add3A_18] : memref<331776xi32, #tpu.memory_space<hbm>> -> memref<128xi32, #tpu.memory_space<hbm>>
        %dma_start3A_19 = tpu.memref_slice %arg4[%add3A_18] : memref<331776xi32, #tpu.memory_space<hbm>> -> memref<128xi32, #tpu.memory_space<hbm>>
        tpu.enqueue_dma source(%dma_start3A_19 : memref<128xi32, #tpu.memory_space<hbm>>) target(%arg8 : memref<128xi32, #tpu.memory_space<vmem>>) target_semaphore(%run_scoped3A : memref<!tpu.dma_semaphore, #tpu.memory_space<semaphore_mem>>)
        %dma_wait3A = tpu.memref_slice %arg4[%add3A_18] : memref<331776xi32, #tpu.memory_space<hbm>> -> memref<128xi32, #tpu.memory_space<hbm>>
        %dma_wait3A_20 = tpu.memref_slice %arg4[%add3A_18] : memref<331776xi32, #tpu.memory_space<hbm>> -> memref<128xi32, #tpu.memory_space<hbm>>
        tpu.wait_dma2 semaphore(%run_scoped3A : memref<!tpu.dma_semaphore, #tpu.memory_space<semaphore_mem>>) src(%dma_wait3A_20 : memref<128xi32, #tpu.memory_space<hbm>>) dst(%arg8 : memref<128xi32, #tpu.memory_space<vmem>>)
        tpu.yield
      }) : () -> ()
      "tpu.region"() ({
        %run_scoped3A = tpu.sem_alloc : memref<!tpu.dma_semaphore, #tpu.memory_space<semaphore_mem>>
        %dma_start3A = arith.constant 0 : i32
        %dma_start3A_19 = arith.constant 0 : i32
        %dma_start3A_20 = tpu.memref_slice %arg2[%dma_start3A, %dma_start3A_19] : memref<10240x128xf32, #tpu.memory_space<hbm>> -> memref<10240x128xf32, #tpu.memory_space<hbm>>
        tpu.enqueue_indirect_dma source(%dma_start3A_20 : memref<10240x128xf32, #tpu.memory_space<hbm>>) target(%arg9 : memref<128x128xf32, #tpu.memory_space<vmem>>) offsets(%arg7 : memref<128xi32, #tpu.memory_space<vmem>>) semaphore(%run_scoped3A : memref<!tpu.dma_semaphore, #tpu.memory_space<semaphore_mem>>)
        %dma_wait3A = arith.constant 0 : i32
        %dma_wait3A_21 = arith.constant 0 : i32
        %dma_wait3A_22 = tpu.memref_slice %arg2[%dma_wait3A, %dma_wait3A_21] : memref<10240x128xf32, #tpu.memory_space<hbm>> -> memref<10240x128xf32, #tpu.memory_space<hbm>>
        tpu.wait_indirect_dma semaphore(%run_scoped3A : memref<!tpu.dma_semaphore, #tpu.memory_space<semaphore_mem>>) src(%dma_wait3A_22 : memref<10240x128xf32, #tpu.memory_space<hbm>>) dst(%arg9 : memref<128x128xf32, #tpu.memory_space<vmem>>)
        tpu.yield
      }) : () -> ()
      "tpu.region"() ({
        %run_scoped3A = tpu.sem_alloc : memref<!tpu.dma_semaphore, #tpu.memory_space<semaphore_mem>>
        %dma_start3A = arith.constant 0 : i32
        %dma_start3A_19 = arith.constant 0 : i32
        %dma_start3A_20 = tpu.memref_slice %arg10[%dma_start3A, %dma_start3A_19] : memref<10240x128xf32, #tpu.memory_space<vmem_shared>> -> memref<10240x128xf32, #tpu.memory_space<vmem_shared>>
        tpu.enqueue_indirect_dma source(%arg9 : memref<128x128xf32, #tpu.memory_space<vmem>>) target(%dma_start3A_20 : memref<10240x128xf32, #tpu.memory_space<vmem_shared>>) offsets(%arg8 : memref<128xi32, #tpu.memory_space<vmem>>) semaphore(%run_scoped3A : memref<!tpu.dma_semaphore, #tpu.memory_space<semaphore_mem>>) {add = true}
        %dma_wait3A = arith.constant 0 : i32
        %dma_wait3A_21 = arith.constant 0 : i32
        %dma_wait3A_22 = tpu.memref_slice %arg10[%dma_wait3A, %dma_wait3A_21] : memref<10240x128xf32, #tpu.memory_space<vmem_shared>> -> memref<10240x128xf32, #tpu.memory_space<vmem_shared>>
        tpu.wait_indirect_dma semaphore(%run_scoped3A : memref<!tpu.dma_semaphore, #tpu.memory_space<semaphore_mem>>) src(%arg9 : memref<128x128xf32, #tpu.memory_space<vmem>>) dst(%dma_wait3A_22 : memref<10240x128xf32, #tpu.memory_space<vmem_shared>>)
        tpu.yield
      }) : () -> ()
    }
    %scan3A_7 = arith.constant 81 : i32
    %barrier3A_8 = arith.constant 0 : index
    tpu.barrier barrier_id(%barrier3A_8)
    %mul3A_9 = arith.constant 640 : i32
    %mul3A_10 = arith.muli %arg1, %mul3A_9 : i32
    %mul3A_11 = arith.constant 640 : i32
    %mul3A_12 = arith.muli %arg1, %mul3A_11 : i32
    "tpu.region"() ({
      %run_scoped3A = tpu.sem_alloc : memref<!tpu.dma_semaphore, #tpu.memory_space<semaphore_mem>>
      %dma_start3A = arith.constant 0 : i32
      %dma_start3A_13 = tpu.memref_slice %arg6[%arg0, %mul3A_12, %dma_start3A] : memref<2x10240x128xf32, #tpu.memory_space<hbm>> -> memref<1x640x128xf32, #tpu.memory_space<hbm>>
      %dma_start3A_14 = tpu.memref_squeeze %dma_start3A_13 : memref<1x640x128xf32, #tpu.memory_space<hbm>> -> memref<640x128xf32, #tpu.memory_space<hbm>>
      %dma_start3A_15 = arith.constant 0 : i32
      %dma_start3A_16 = tpu.memref_slice %arg10[%mul3A_10, %dma_start3A_15] : memref<10240x128xf32, #tpu.memory_space<vmem_shared>> -> memref<640x128xf32, #tpu.memory_space<vmem_shared>>
      tpu.enqueue_dma source(%dma_start3A_16 : memref<640x128xf32, #tpu.memory_space<vmem_shared>>) target(%dma_start3A_14 : memref<640x128xf32, #tpu.memory_space<hbm>>) target_semaphore(%run_scoped3A : memref<!tpu.dma_semaphore, #tpu.memory_space<semaphore_mem>>)
      %dma_wait3A = arith.constant 0 : i32
      %dma_wait3A_17 = tpu.memref_slice %arg6[%arg0, %mul3A_12, %dma_wait3A] : memref<2x10240x128xf32, #tpu.memory_space<hbm>> -> memref<1x640x128xf32, #tpu.memory_space<hbm>>
      %dma_wait3A_18 = tpu.memref_squeeze %dma_wait3A_17 : memref<1x640x128xf32, #tpu.memory_space<hbm>> -> memref<640x128xf32, #tpu.memory_space<hbm>>
      %dma_wait3A_19 = arith.constant 0 : i32
      %dma_wait3A_20 = tpu.memref_slice %arg10[%mul3A_10, %dma_wait3A_19] : memref<10240x128xf32, #tpu.memory_space<vmem_shared>> -> memref<640x128xf32, #tpu.memory_space<vmem_shared>>
      tpu.wait_dma2 semaphore(%run_scoped3A : memref<!tpu.dma_semaphore, #tpu.memory_space<semaphore_mem>>) src(%dma_wait3A_20 : memref<640x128xf32, #tpu.memory_space<vmem_shared>>) dst(%dma_wait3A_18 : memref<640x128xf32, #tpu.memory_space<hbm>>)
      tpu.yield
    }) : () -> ()
    return
  }
}

#map = affine_map<(d0, d1) -> (0, 0)>
#map1 = affine_map<(d0, d1) -> (0)>
#map2 = affine_map<(d0, d1) -> (0, 0, 0)>
module attributes {stable_mosaic.version = 14 : i64} {
  func.func @sc_scatter(%arg0: i32, %arg1: i32, %arg2: memref<10240x64xf32, #tpu.memory_space<hbm>>, %arg3: memref<331776xi32, #tpu.memory_space<hbm>>, %arg4: memref<331776xi32, #tpu.memory_space<hbm>>, %arg5: memref<640x64xf32, #tpu.memory_space<hbm>>, %arg6: memref<2x10240x64xf32, #tpu.memory_space<hbm>>, %arg7: memref<128xi32, #tpu.memory_space<vmem>>, %arg8: memref<128xi32, #tpu.memory_space<vmem>>, %arg9: memref<128x64xf32, #tpu.memory_space<vmem>>, %arg10: memref<10240x64xf32, #tpu.memory_space<vmem_shared>>) attributes {dimension_semantics = [#tpu.dimension_semantics<core_parallel>, #tpu.dimension_semantics<subcore_parallel>], iteration_bounds = array<i64: 2, 16>, scalar_prefetch = 0 : i64, scratch_operands = 4 : i64, tpu.core_type = #tpu.core_type<sc_vector_subcore>, window_params = [{transform_indices = #map}, {transform_indices = #map1}, {transform_indices = #map1}, {transform_indices = #map}, {transform_indices = #map2}]} {
    %mul3A = arith.constant 2 : i32
    %mul3A_0 = arith.muli %arg1, %mul3A : i32
    %add3A = arith.addi %mul3A_0, %arg0 : i32
    %mul3A_1 = arith.constant 640 : i32
    %mul3A_2 = arith.muli %arg1, %mul3A_1 : i32
    "tpu.region"() ({
      %run_scoped3A = tpu.sem_alloc : memref<!tpu.dma_semaphore, #tpu.memory_space<semaphore_mem>>
      %dma_start3A = arith.constant 0 : i32
      %dma_start3A_13 = tpu.memref_slice %arg10[%mul3A_2, %dma_start3A] : memref<10240x64xf32, #tpu.memory_space<vmem_shared>> -> memref<640x64xf32, #tpu.memory_space<vmem_shared>>
      tpu.enqueue_dma source(%arg5 : memref<640x64xf32, #tpu.memory_space<hbm>>) target(%dma_start3A_13 : memref<640x64xf32, #tpu.memory_space<vmem_shared>>) target_semaphore(%run_scoped3A : memref<!tpu.dma_semaphore, #tpu.memory_space<semaphore_mem>>)
      %dma_wait3A = arith.constant 0 : i32
      %dma_wait3A_14 = tpu.memref_slice %arg10[%mul3A_2, %dma_wait3A] : memref<10240x64xf32, #tpu.memory_space<vmem_shared>> -> memref<640x64xf32, #tpu.memory_space<vmem_shared>>
      tpu.wait_dma2 semaphore(%run_scoped3A : memref<!tpu.dma_semaphore, #tpu.memory_space<semaphore_mem>>) src(%arg5 : memref<640x64xf32, #tpu.memory_space<hbm>>) dst(%dma_wait3A_14 : memref<640x64xf32, #tpu.memory_space<vmem_shared>>)
      tpu.yield
    }) : () -> ()
    %barrier3A = arith.constant 0 : index
    tpu.barrier barrier_id(%barrier3A)
    %scan3A = arith.constant 0 : i32
    %scan3A_3 = arith.constant 0 : i32
    %scan3A_4 = arith.constant 81 : i32
    %scan3A_5 = arith.addi %scan3A_3, %scan3A_4 : i32
    %scan3A_6 = arith.constant 1 : i32
    scf.for %scan3A_13 = %scan3A_3 to %scan3A_5 step %scan3A_6  : i32 {
      %mul3A_14 = arith.constant 10368 : i32
      %mul3A_15 = arith.muli %add3A, %mul3A_14 : i32
      %mul3A_16 = arith.constant 128 : i32
      %mul3A_17 = arith.muli %scan3A_13, %mul3A_16 : i32
      %add3A_18 = arith.addi %mul3A_15, %mul3A_17 : i32
      "tpu.region"() ({
        %run_scoped3A = tpu.sem_alloc : memref<!tpu.dma_semaphore, #tpu.memory_space<semaphore_mem>>
        %dma_start3A = tpu.memref_slice %arg3[%add3A_18] : memref<331776xi32, #tpu.memory_space<hbm>> -> memref<128xi32, #tpu.memory_space<hbm>>
        %dma_start3A_19 = tpu.memref_slice %arg3[%add3A_18] : memref<331776xi32, #tpu.memory_space<hbm>> -> memref<128xi32, #tpu.memory_space<hbm>>
        tpu.enqueue_dma source(%dma_start3A_19 : memref<128xi32, #tpu.memory_space<hbm>>) target(%arg7 : memref<128xi32, #tpu.memory_space<vmem>>) target_semaphore(%run_scoped3A : memref<!tpu.dma_semaphore, #tpu.memory_space<semaphore_mem>>)
        %dma_wait3A = tpu.memref_slice %arg3[%add3A_18] : memref<331776xi32, #tpu.memory_space<hbm>> -> memref<128xi32, #tpu.memory_space<hbm>>
        %dma_wait3A_20 = tpu.memref_slice %arg3[%add3A_18] : memref<331776xi32, #tpu.memory_space<hbm>> -> memref<128xi32, #tpu.memory_space<hbm>>
        tpu.wait_dma2 semaphore(%run_scoped3A : memref<!tpu.dma_semaphore, #tpu.memory_space<semaphore_mem>>) src(%dma_wait3A_20 : memref<128xi32, #tpu.memory_space<hbm>>) dst(%arg7 : memref<128xi32, #tpu.memory_space<vmem>>)
        tpu.yield
      }) : () -> ()
      "tpu.region"() ({
        %run_scoped3A = tpu.sem_alloc : memref<!tpu.dma_semaphore, #tpu.memory_space<semaphore_mem>>
        %dma_start3A = tpu.memref_slice %arg4[%add3A_18] : memref<331776xi32, #tpu.memory_space<hbm>> -> memref<128xi32, #tpu.memory_space<hbm>>
        %dma_start3A_19 = tpu.memref_slice %arg4[%add3A_18] : memref<331776xi32, #tpu.memory_space<hbm>> -> memref<128xi32, #tpu.memory_space<hbm>>
        tpu.enqueue_dma source(%dma_start3A_19 : memref<128xi32, #tpu.memory_space<hbm>>) target(%arg8 : memref<128xi32, #tpu.memory_space<vmem>>) target_semaphore(%run_scoped3A : memref<!tpu.dma_semaphore, #tpu.memory_space<semaphore_mem>>)
        %dma_wait3A = tpu.memref_slice %arg4[%add3A_18] : memref<331776xi32, #tpu.memory_space<hbm>> -> memref<128xi32, #tpu.memory_space<hbm>>
        %dma_wait3A_20 = tpu.memref_slice %arg4[%add3A_18] : memref<331776xi32, #tpu.memory_space<hbm>> -> memref<128xi32, #tpu.memory_space<hbm>>
        tpu.wait_dma2 semaphore(%run_scoped3A : memref<!tpu.dma_semaphore, #tpu.memory_space<semaphore_mem>>) src(%dma_wait3A_20 : memref<128xi32, #tpu.memory_space<hbm>>) dst(%arg8 : memref<128xi32, #tpu.memory_space<vmem>>)
        tpu.yield
      }) : () -> ()
      "tpu.region"() ({
        %run_scoped3A = tpu.sem_alloc : memref<!tpu.dma_semaphore, #tpu.memory_space<semaphore_mem>>
        %dma_start3A = arith.constant 0 : i32
        %dma_start3A_19 = arith.constant 0 : i32
        %dma_start3A_20 = tpu.memref_slice %arg2[%dma_start3A, %dma_start3A_19] : memref<10240x64xf32, #tpu.memory_space<hbm>> -> memref<10240x64xf32, #tpu.memory_space<hbm>>
        tpu.enqueue_indirect_dma source(%dma_start3A_20 : memref<10240x64xf32, #tpu.memory_space<hbm>>) target(%arg9 : memref<128x64xf32, #tpu.memory_space<vmem>>) offsets(%arg7 : memref<128xi32, #tpu.memory_space<vmem>>) semaphore(%run_scoped3A : memref<!tpu.dma_semaphore, #tpu.memory_space<semaphore_mem>>)
        %dma_wait3A = arith.constant 0 : i32
        %dma_wait3A_21 = arith.constant 0 : i32
        %dma_wait3A_22 = tpu.memref_slice %arg2[%dma_wait3A, %dma_wait3A_21] : memref<10240x64xf32, #tpu.memory_space<hbm>> -> memref<10240x64xf32, #tpu.memory_space<hbm>>
        tpu.wait_indirect_dma semaphore(%run_scoped3A : memref<!tpu.dma_semaphore, #tpu.memory_space<semaphore_mem>>) src(%dma_wait3A_22 : memref<10240x64xf32, #tpu.memory_space<hbm>>) dst(%arg9 : memref<128x64xf32, #tpu.memory_space<vmem>>)
        tpu.yield
      }) : () -> ()
      "tpu.region"() ({
        %run_scoped3A = tpu.sem_alloc : memref<!tpu.dma_semaphore, #tpu.memory_space<semaphore_mem>>
        %dma_start3A = arith.constant 0 : i32
        %dma_start3A_19 = arith.constant 0 : i32
        %dma_start3A_20 = tpu.memref_slice %arg10[%dma_start3A, %dma_start3A_19] : memref<10240x64xf32, #tpu.memory_space<vmem_shared>> -> memref<10240x64xf32, #tpu.memory_space<vmem_shared>>
        tpu.enqueue_indirect_dma source(%arg9 : memref<128x64xf32, #tpu.memory_space<vmem>>) target(%dma_start3A_20 : memref<10240x64xf32, #tpu.memory_space<vmem_shared>>) offsets(%arg8 : memref<128xi32, #tpu.memory_space<vmem>>) semaphore(%run_scoped3A : memref<!tpu.dma_semaphore, #tpu.memory_space<semaphore_mem>>) {add = true}
        %dma_wait3A = arith.constant 0 : i32
        %dma_wait3A_21 = arith.constant 0 : i32
        %dma_wait3A_22 = tpu.memref_slice %arg10[%dma_wait3A, %dma_wait3A_21] : memref<10240x64xf32, #tpu.memory_space<vmem_shared>> -> memref<10240x64xf32, #tpu.memory_space<vmem_shared>>
        tpu.wait_indirect_dma semaphore(%run_scoped3A : memref<!tpu.dma_semaphore, #tpu.memory_space<semaphore_mem>>) src(%arg9 : memref<128x64xf32, #tpu.memory_space<vmem>>) dst(%dma_wait3A_22 : memref<10240x64xf32, #tpu.memory_space<vmem_shared>>)
        tpu.yield
      }) : () -> ()
    }
    %scan3A_7 = arith.constant 81 : i32
    %barrier3A_8 = arith.constant 0 : index
    tpu.barrier barrier_id(%barrier3A_8)
    %mul3A_9 = arith.constant 640 : i32
    %mul3A_10 = arith.muli %arg1, %mul3A_9 : i32
    %mul3A_11 = arith.constant 640 : i32
    %mul3A_12 = arith.muli %arg1, %mul3A_11 : i32
    "tpu.region"() ({
      %run_scoped3A = tpu.sem_alloc : memref<!tpu.dma_semaphore, #tpu.memory_space<semaphore_mem>>
      %dma_start3A = arith.constant 0 : i32
      %dma_start3A_13 = tpu.memref_slice %arg6[%arg0, %mul3A_12, %dma_start3A] : memref<2x10240x64xf32, #tpu.memory_space<hbm>> -> memref<1x640x64xf32, #tpu.memory_space<hbm>>
      %dma_start3A_14 = tpu.memref_squeeze %dma_start3A_13 : memref<1x640x64xf32, #tpu.memory_space<hbm>> -> memref<640x64xf32, #tpu.memory_space<hbm>>
      %dma_start3A_15 = arith.constant 0 : i32
      %dma_start3A_16 = tpu.memref_slice %arg10[%mul3A_10, %dma_start3A_15] : memref<10240x64xf32, #tpu.memory_space<vmem_shared>> -> memref<640x64xf32, #tpu.memory_space<vmem_shared>>
      tpu.enqueue_dma source(%dma_start3A_16 : memref<640x64xf32, #tpu.memory_space<vmem_shared>>) target(%dma_start3A_14 : memref<640x64xf32, #tpu.memory_space<hbm>>) target_semaphore(%run_scoped3A : memref<!tpu.dma_semaphore, #tpu.memory_space<semaphore_mem>>)
      %dma_wait3A = arith.constant 0 : i32
      %dma_wait3A_17 = tpu.memref_slice %arg6[%arg0, %mul3A_12, %dma_wait3A] : memref<2x10240x64xf32, #tpu.memory_space<hbm>> -> memref<1x640x64xf32, #tpu.memory_space<hbm>>
      %dma_wait3A_18 = tpu.memref_squeeze %dma_wait3A_17 : memref<1x640x64xf32, #tpu.memory_space<hbm>> -> memref<640x64xf32, #tpu.memory_space<hbm>>
      %dma_wait3A_19 = arith.constant 0 : i32
      %dma_wait3A_20 = tpu.memref_slice %arg10[%mul3A_10, %dma_wait3A_19] : memref<10240x64xf32, #tpu.memory_space<vmem_shared>> -> memref<640x64xf32, #tpu.memory_space<vmem_shared>>
      tpu.wait_dma2 semaphore(%run_scoped3A : memref<!tpu.dma_semaphore, #tpu.memory_space<semaphore_mem>>) src(%dma_wait3A_20 : memref<640x64xf32, #tpu.memory_space<vmem_shared>>) dst(%dma_wait3A_18 : memref<640x64xf32, #tpu.memory_space<hbm>>)
      tpu.yield
    }) : () -> ()
    return
  }
}

module attributes {stable_mosaic.version = 14 : i64} {
  func.func @_tc_a_body(%arg0: i32, %arg1: memref<1280x128xf32, #tpu.memory_space<vmem>>, %arg2: memref<128x128xf32, #tpu.memory_space<vmem>>, %arg3: memref<1280x2xf32, #tpu.memory_space<vmem>>, %arg4: memref<1280x128xf32, #tpu.memory_space<vmem>>, %arg5: memref<1280x1xf32, #tpu.memory_space<vmem>>) attributes {dimension_semantics = [#tpu.dimension_semantics<arbitrary>], iteration_bounds = array<i64: 8>, scalar_prefetch = 0 : i64, scratch_operands = 0 : i64, tpu.core_type = #tpu.core_type<tc>, window_params = [{transform_indices = @transform_0, window_bounds = array<i64: 1280, 128>}, {pipeline_mode = #tpu.pipeline_mode<synchronous>, transform_indices = @transform_1, window_bounds = array<i64: 128, 128>}, {transform_indices = @transform_2, window_bounds = array<i64: 1280, 2>}, {transform_indices = @transform_3, window_bounds = array<i64: 1280, 128>}, {transform_indices = @transform_4, window_bounds = array<i64: 1280, 1>}]} {
    %get3A = arith.constant 0 : index
    %get3A_0 = arith.constant 0 : index
    %get3A_1 = vector.load %arg3[%get3A, %get3A_0] : memref<1280x2xf32, #tpu.memory_space<vmem>>, vector<1280x1xf32>
    %get3A_2 = arith.constant 0 : index
    %get3A_3 = arith.constant 1 : index
    %get3A_4 = vector.load %arg3[%get3A_2, %get3A_3] : memref<1280x2xf32, #tpu.memory_space<vmem>>, vector<1280x1xf32>
    %add3A = arith.addf %get3A_1, %get3A_4 : vector<1280x1xf32>
    %gt3A = arith.constant 0.000000e+00 : f32
    %gt3A_5 = vector.broadcast %gt3A : f32 to vector<1280x1xf32>
    %gt3A_6 = arith.cmpf ogt, %add3A, %gt3A_5 : vector<1280x1xf32>
    %rsqrt3A = math.rsqrt %add3A : vector<1280x1xf32>
    %jit3A = arith.constant 0.000000e+00 : f32
    %broadcast_in_dim3A = vector.broadcast %jit3A : f32 to vector<1280x1xf32>
    %select_n3A = arith.select %gt3A_6, %rsqrt3A, %broadcast_in_dim3A : vector<1280x1xi1>, vector<1280x1xf32>
    %get3A_7 = arith.constant 0 : index
    %get3A_8 = arith.constant 0 : index
    %get3A_9 = vector.load %arg1[%get3A_7, %get3A_8] : memref<1280x128xf32, #tpu.memory_space<vmem>>, vector<1280x128xf32>
    %get3A_10 = arith.constant 0 : index
    %get3A_11 = arith.constant 0 : index
    %get3A_12 = vector.load %arg2[%get3A_10, %get3A_11] : memref<128x128xf32, #tpu.memory_space<vmem>>, vector<128x128xf32>
    %dot_general3A = arith.constant dense<0.000000e+00> : vector<1280x128xf32>
    %dot_general3A_13 = tpu.matmul %get3A_9, %get3A_12, %dot_general3A {dimension_numbers = #tpu.dot_dimension_numbers<[1], [0], [0], [1], [0, 0, 1, 1], [], []>, transpose_lhs_hint = false} : vector<1280x128xf32>, vector<128x128xf32>, vector<1280x128xf32> -> vector<1280x128xf32>
    %mul3A = vector.broadcast %select_n3A : vector<1280x1xf32> to vector<1280x128xf32>
    %mul3A_14 = arith.mulf %dot_general3A_13, %mul3A : vector<1280x128xf32>
    %swap3A = arith.constant 0 : index
    %swap3A_15 = arith.constant 0 : index
    %swap3A_16 = vector.load %arg4[%swap3A, %swap3A_15] : memref<1280x128xf32, #tpu.memory_space<vmem>>, vector<1280x128xf32>
    tpu.vector_store %arg4[%swap3A, %swap3A_15], %mul3A_14 {strides = array<i32>} : memref<1280x128xf32, #tpu.memory_space<vmem>>, vector<1280x128xf32>,
    %swap3A_17 = arith.constant 0 : index
    %swap3A_18 = arith.constant 0 : index
    %swap3A_19 = vector.load %arg5[%swap3A_17, %swap3A_18] : memref<1280x1xf32, #tpu.memory_space<vmem>>, vector<1280x1xf32>
    tpu.vector_store %arg5[%swap3A_17, %swap3A_18], %select_n3A {strides = array<i32>} : memref<1280x1xf32, #tpu.memory_space<vmem>>, vector<1280x1xf32>,
    return
  }
  func.func @transform_0(%arg0: i32) -> (i32, i32) {
    %c0_i32 = arith.constant 0 : i32
    %c0_i32_0 = arith.constant 0 : i32
    return %arg0, %c0_i32 : i32, i32
  }
  func.func @transform_1(%arg0: i32) -> (i32, i32) {
    %c0_i32 = arith.constant 0 : i32
    %c0_i32_0 = arith.constant 0 : i32
    %c0_i32_1 = arith.constant 0 : i32
    return %c0_i32, %c0_i32_0 : i32, i32
  }
  func.func @transform_2(%arg0: i32) -> (i32, i32) {
    %c0_i32 = arith.constant 0 : i32
    %c0_i32_0 = arith.constant 0 : i32
    return %arg0, %c0_i32 : i32, i32
  }
  func.func @transform_3(%arg0: i32) -> (i32, i32) {
    %c0_i32 = arith.constant 0 : i32
    %c0_i32_0 = arith.constant 0 : i32
    return %arg0, %c0_i32 : i32, i32
  }
  func.func @transform_4(%arg0: i32) -> (i32, i32) {
    %c0_i32 = arith.constant 0 : i32
    %c0_i32_0 = arith.constant 0 : i32
    return %arg0, %c0_i32 : i32, i32
  }
}

module attributes {stable_mosaic.version = 14 : i64} {
  func.func @_tc_b_body(%arg0: i32, %arg1: memref<2x1280x128xf32, #tpu.memory_space<vmem>>, %arg2: memref<1280x1xf32, #tpu.memory_space<vmem>>, %arg3: memref<1x128xf32, #tpu.memory_space<vmem>>, %arg4: memref<128x64xf32, #tpu.memory_space<vmem>>, %arg5: memref<1280x64xf32, #tpu.memory_space<vmem>>) attributes {dimension_semantics = [#tpu.dimension_semantics<arbitrary>], iteration_bounds = array<i64: 8>, scalar_prefetch = 0 : i64, scratch_operands = 0 : i64, tpu.core_type = #tpu.core_type<tc>, window_params = [{transform_indices = @transform_0, window_bounds = array<i64: 2, 1280, 128>}, {transform_indices = @transform_1, window_bounds = array<i64: 1280, 1>}, {pipeline_mode = #tpu.pipeline_mode<synchronous>, transform_indices = @transform_2, window_bounds = array<i64: 1, 128>}, {pipeline_mode = #tpu.pipeline_mode<synchronous>, transform_indices = @transform_3, window_bounds = array<i64: 128, 64>}, {transform_indices = @transform_4, window_bounds = array<i64: 1280, 64>}]} {
    %get3A = arith.constant 0 : index
    %get3A_0 = arith.constant 0 : index
    %get3A_1 = vector.load %arg2[%get3A, %get3A_0] : memref<1280x1xf32, #tpu.memory_space<vmem>>, vector<1280x1xf32>
    %get3A_2 = arith.constant 0 : index
    %get3A_3 = arith.constant 0 : index
    %get3A_4 = arith.constant 0 : index
    %get3A_5 = vector.load %arg1[%get3A_2, %get3A_3, %get3A_4] : memref<2x1280x128xf32, #tpu.memory_space<vmem>>, vector<1x1280x128xf32>
    %get3A_6 = vector.shape_cast %get3A_5 : vector<1x1280x128xf32> to vector<1280x128xf32>
    %get3A_7 = arith.constant 1 : index
    %get3A_8 = arith.constant 0 : index
    %get3A_9 = arith.constant 0 : index
    %get3A_10 = vector.load %arg1[%get3A_7, %get3A_8, %get3A_9] : memref<2x1280x128xf32, #tpu.memory_space<vmem>>, vector<1x1280x128xf32>
    %get3A_11 = vector.shape_cast %get3A_10 : vector<1x1280x128xf32> to vector<1280x128xf32>
    %add3A = arith.addf %get3A_6, %get3A_11 : vector<1280x128xf32>
    %mul3A = vector.broadcast %get3A_1 : vector<1280x1xf32> to vector<1280x128xf32>
    %mul3A_12 = arith.mulf %add3A, %mul3A : vector<1280x128xf32>
    %get3A_13 = arith.constant 0 : index
    %get3A_14 = arith.constant 0 : index
    %get3A_15 = vector.load %arg3[%get3A_13, %get3A_14] : memref<1x128xf32, #tpu.memory_space<vmem>>, vector<1x128xf32>
    %add3A_16 = vector.broadcast %get3A_15 : vector<1x128xf32> to vector<1280x128xf32>
    %add3A_17 = arith.addf %mul3A_12, %add3A_16 : vector<1280x128xf32>
    %max3A = arith.constant 0.000000e+00 : f32
    %max3A_18 = vector.broadcast %max3A : f32 to vector<1280x128xf32>
    %max3A_19 = arith.maximumf %add3A_17, %max3A_18 : vector<1280x128xf32>
    %get3A_20 = arith.constant 0 : index
    %get3A_21 = arith.constant 0 : index
    %get3A_22 = vector.load %arg4[%get3A_20, %get3A_21] : memref<128x64xf32, #tpu.memory_space<vmem>>, vector<128x64xf32>
    %dot_general3A = arith.constant dense<0.000000e+00> : vector<1280x64xf32>
    %dot_general3A_23 = tpu.matmul %max3A_19, %get3A_22, %dot_general3A {dimension_numbers = #tpu.dot_dimension_numbers<[1], [0], [0], [1], [0, 0, 1, 1], [], []>, transpose_lhs_hint = false} : vector<1280x128xf32>, vector<128x64xf32>, vector<1280x64xf32> -> vector<1280x64xf32>
    %mul3A_24 = vector.broadcast %get3A_1 : vector<1280x1xf32> to vector<1280x64xf32>
    %mul3A_25 = arith.mulf %dot_general3A_23, %mul3A_24 : vector<1280x64xf32>
    %swap3A = arith.constant 0 : index
    %swap3A_26 = arith.constant 0 : index
    %swap3A_27 = vector.load %arg5[%swap3A, %swap3A_26] : memref<1280x64xf32, #tpu.memory_space<vmem>>, vector<1280x64xf32>
    tpu.vector_store %arg5[%swap3A, %swap3A_26], %mul3A_25 {strides = array<i32>} : memref<1280x64xf32, #tpu.memory_space<vmem>>, vector<1280x64xf32>,
    return
  }
  func.func @transform_0(%arg0: i32) -> (i32, i32, i32) {
    %c0_i32 = arith.constant 0 : i32
    %c0_i32_0 = arith.constant 0 : i32
    %c0_i32_1 = arith.constant 0 : i32
    return %c0_i32, %arg0, %c0_i32_0 : i32, i32, i32
  }
  func.func @transform_1(%arg0: i32) -> (i32, i32) {
    %c0_i32 = arith.constant 0 : i32
    %c0_i32_0 = arith.constant 0 : i32
    return %arg0, %c0_i32 : i32, i32
  }
  func.func @transform_2(%arg0: i32) -> (i32, i32) {
    %c0_i32 = arith.constant 0 : i32
    %c0_i32_0 = arith.constant 0 : i32
    %c0_i32_1 = arith.constant 0 : i32
    return %c0_i32, %c0_i32_0 : i32, i32
  }
  func.func @transform_3(%arg0: i32) -> (i32, i32) {
    %c0_i32 = arith.constant 0 : i32
    %c0_i32_0 = arith.constant 0 : i32
    %c0_i32_1 = arith.constant 0 : i32
    return %c0_i32, %c0_i32_0 : i32, i32
  }
  func.func @transform_4(%arg0: i32) -> (i32, i32) {
    %c0_i32 = arith.constant 0 : i32
    %c0_i32_0 = arith.constant 0 : i32
    return %arg0, %c0_i32 : i32, i32
  }
}

module attributes {stable_mosaic.version = 14 : i64} {
  func.func @_tc_c_body(%arg0: i32, %arg1: memref<2x1280x64xf32, #tpu.memory_space<vmem>>, %arg2: memref<1280x1xf32, #tpu.memory_space<vmem>>, %arg3: memref<1x64xf32, #tpu.memory_space<vmem>>, %arg4: memref<1280x64xf32, #tpu.memory_space<vmem>>) attributes {dimension_semantics = [#tpu.dimension_semantics<arbitrary>], iteration_bounds = array<i64: 8>, scalar_prefetch = 0 : i64, scratch_operands = 0 : i64, tpu.core_type = #tpu.core_type<tc>, window_params = [{transform_indices = @transform_0, window_bounds = array<i64: 2, 1280, 64>}, {transform_indices = @transform_1, window_bounds = array<i64: 1280, 1>}, {pipeline_mode = #tpu.pipeline_mode<synchronous>, transform_indices = @transform_2, window_bounds = array<i64: 1, 64>}, {transform_indices = @transform_3, window_bounds = array<i64: 1280, 64>}]} {
    %get3A = arith.constant 0 : index
    %get3A_0 = arith.constant 0 : index
    %get3A_1 = arith.constant 0 : index
    %get3A_2 = vector.load %arg1[%get3A, %get3A_0, %get3A_1] : memref<2x1280x64xf32, #tpu.memory_space<vmem>>, vector<1x1280x64xf32>
    %get3A_3 = vector.shape_cast %get3A_2 : vector<1x1280x64xf32> to vector<1280x64xf32>
    %get3A_4 = arith.constant 1 : index
    %get3A_5 = arith.constant 0 : index
    %get3A_6 = arith.constant 0 : index
    %get3A_7 = vector.load %arg1[%get3A_4, %get3A_5, %get3A_6] : memref<2x1280x64xf32, #tpu.memory_space<vmem>>, vector<1x1280x64xf32>
    %get3A_8 = vector.shape_cast %get3A_7 : vector<1x1280x64xf32> to vector<1280x64xf32>
    %add3A = arith.addf %get3A_3, %get3A_8 : vector<1280x64xf32>
    %get3A_9 = arith.constant 0 : index
    %get3A_10 = arith.constant 0 : index
    %get3A_11 = vector.load %arg2[%get3A_9, %get3A_10] : memref<1280x1xf32, #tpu.memory_space<vmem>>, vector<1280x1xf32>
    %mul3A = vector.broadcast %get3A_11 : vector<1280x1xf32> to vector<1280x64xf32>
    %mul3A_12 = arith.mulf %add3A, %mul3A : vector<1280x64xf32>
    %get3A_13 = arith.constant 0 : index
    %get3A_14 = arith.constant 0 : index
    %get3A_15 = vector.load %arg3[%get3A_13, %get3A_14] : memref<1x64xf32, #tpu.memory_space<vmem>>, vector<1x64xf32>
    %add3A_16 = vector.broadcast %get3A_15 : vector<1x64xf32> to vector<1280x64xf32>
    %add3A_17 = arith.addf %mul3A_12, %add3A_16 : vector<1280x64xf32>
    %swap3A = arith.constant 0 : index
    %swap3A_18 = arith.constant 0 : index
    %swap3A_19 = vector.load %arg4[%swap3A, %swap3A_18] : memref<1280x64xf32, #tpu.memory_space<vmem>>, vector<1280x64xf32>
    tpu.vector_store %arg4[%swap3A, %swap3A_18], %add3A_17 {strides = array<i32>} : memref<1280x64xf32, #tpu.memory_space<vmem>>, vector<1280x64xf32>,
    return
  }
  func.func @transform_0(%arg0: i32) -> (i32, i32, i32) {
    %c0_i32 = arith.constant 0 : i32
    %c0_i32_0 = arith.constant 0 : i32
    %c0_i32_1 = arith.constant 0 : i32
    return %c0_i32, %arg0, %c0_i32_0 : i32, i32, i32
  }
  func.func @transform_1(%arg0: i32) -> (i32, i32) {
    %c0_i32 = arith.constant 0 : i32
    %c0_i32_0 = arith.constant 0 : i32
    return %arg0, %c0_i32 : i32, i32
  }
  func.func @transform_2(%arg0: i32) -> (i32, i32) {
    %c0_i32 = arith.constant 0 : i32
    %c0_i32_0 = arith.constant 0 : i32
    %c0_i32_1 = arith.constant 0 : i32
    return %c0_i32, %c0_i32_0 : i32, i32
  }
  func.func @transform_3(%arg0: i32) -> (i32, i32) {
    %c0_i32 = arith.constant 0 : i32
    %c0_i32_0 = arith.constant 0 : i32
    return %arg0, %c0_i32 : i32, i32
  }
}

</mosaic_0001>

<sc_bundles>
// kernel: kernel.11.cloned.1.call-start
scs
__scs_entry_jumppad:
0x0: {  	(pc) =	sbr.rel $0x88, $3  }
0x1: {  	(tag) =	ssettag $0x0;
	lr =	simm.s32 $0x1  }
0x2: {  	[smem:$0x3F9B] =	sst lr;
	_ =	strace $0xD0000000  }
0x3: {  	_ = 	snop  }
0x4: {  	_ = 	snop  }
0x5: {  	_ = 	snop  }
0x6: {  	_ = 	snop  }
0x7: {  	_ = 	snop  }
__scs_overlays_trampoline_lowered:
0x8: {  	[smem:$0x3FAA] =	sst s0  }
0x9: {  	[smem:$0x3FAB] =	sst s1  }
0xa: {  	[smem:$0x3FAC] =	sst s2  }
0xb: {  	[smem:$0x3FAD] =	sst s3  }
0xc: {  	[smem:$0x3FAE] =	sst s4  }
0xd: {  	[smem:$0x3FAF] =	sst s5  }
0xe: {  	[smem:$0x3FB0] =	sst s6  }
0xf: {  	[smem:$0x3FB1] =	sst s7  }
0x10: {  	[smem:$0x3FB2] =	sst s8  }
0x11: {  	[smem:$0x3FB3] =	sst s9;
	s0 =	simm.s32 @!p0 $0x0  }
0x12: {  	s1 =	sld [smem:$0x3F99];
	s0 =	simm.s32 @p0 $0x1  }
0x13: {  	[smem:$0x3FB4] =	sst s0;
	s0 =	simm.s32 @!p1 $0x0  }
0x14: {  	s2 =	sld [smem:$0x3F98];
	s0 =	simm.s32 @p1 $0x1  }
0x15: {  	[smem:$0x3FB5] =	sst s0;
	s0 =	simm.s32 @!p2 $0x0  }
0x16: {  	s3 =	sld [smem:$0x3FDB];
	s0 =	simm.s32 @p2 $0x1  }
0x17: {  	s4 =	simm.s32 $0x1BF5;
	[smem:$0x3FB7] =	sst s0  }
0x18: {  	s0 =	sld [smem:$0x3F9A];
	_ =	swait.ge [sflag:s4], $0x0  }
0x19: {  	s7 =	sld [smem:$0x3F9B]  }
0x1a: {  	s8 =	sadd.s32 $0xFFFFE003, lr  }
0x1b: {  	s9 =	sadd.s32 $0xFFFFFEF7, lr;
	s5 =	simm.s32 $0xFFFFFFFF;
	p2 =	slt.u32 s8, $0xFFFFF086  }
0x1c: {  	p1 =	slt.u32 s9, $0xF7A;
	s5 =	simm.s32 @!p2 $0x0  }
0x1d: {  	s5 =	simm.s32 @p1 $0x1;
	p0 =	seq.s32 s7, s2  }
0x1e: {  	s7 =	smul.u32 @!p0 $0xF7A, s2;
	p2 =	seq.s32 @!p0 s5, $0x0  }
0x1f: {  	s9 =	smul.u32 $0xF7A, s1;
	s8 =	simm.s32 @!p0 $0x1BF5;
	p2 =	por !p2, p0  }
0x20: {  	[sflag:s8] =	ssyncset.s32 @!p0 $0xFFFFF086;
	s6 =	sadd.s32 @!p0 s3, s7;
	s7 =	simm.s32 @!p0 $0x108  }
0x21: {  	s3 =	sadd.s32 s3, s9;
	s6 =	sadd.s32 @!p0 $0x88, s6;
	s7 =	simm.s32 @p2 $0x1082  }
0x22: {  	[simem:s7], [sflag:s8] =	dma.local @!p0 [hbm:s6], $0xF7A  }
0x23: {  	s9 =	sor.u32 $0xD0000000, s2;
	s6 =	simm.s32 $0x108;
	_ =	swait.ge @!p0 [sflag:s8], $0x0  }
0x24: {  	s3 =	sadd.s32 $0x88, s3;
	s6 =	simm.s32 @!p1 $0x1082;
	[sflag:s4] =	ssyncset.s32 $0xFFFFF086  }
0x25: {  	[simem:s6], [sflag:s4] =	dma.local [hbm:s3], $0xF7A  }
0x26: {  	[smem:$0x3F9B] =	sst s1;
	(tag) =	ssettag s2;
	_ =	strace s9  }
0x27: {  	s1 =	sld [smem:$0x3FAB]  }
0x28: {  	s2 =	sld [smem:$0x3FAC]  }
0x29: {  	s4 =	sld [smem:$0x3FAE]  }
0x2a: {  	p0 =	seq.s32 s5, $0x0;
	s5 =	sld [smem:$0x3FAF]  }
0x2b: {  	s6 =	sld [smem:$0x3FB0]  }
0x2c: {  	s7 =	sld [smem:$0x3FB1]  }
0x2d: {  	s3 =	simm.s32 $0x108;
	s8 =	sld [smem:$0x3FB2]  }
0x2e: {  	s3 =	simm.s32 @!p0 $0x1082;
	s9 =	sld [smem:$0x3FB3]  }
0x2f: {  	lr =	sadd.s32 s0, s3;
	s0 =	sld [smem:$0x3FAA]  }
0x30: {  	s3 =	sld [smem:$0x3FAD]  }
0x31: {  	[smem:$0x3FB6] =	sst s10  }
0x32: {  	s10 =	sld [smem:$0x3FB4];
	_ =	sdelay $0x3  }
0x33: {  	p0 =	seq.s32 s10, $0x1;
	s10 =	sld [smem:$0x3FB6];
	_ =	sdelay $0x3  }
0x34: {  	[smem:$0x3FB6] =	sst s10  }
0x35: {  	s10 =	sld [smem:$0x3FB5];
	_ =	sdelay $0x3  }
0x36: {  	p1 =	seq.s32 s10, $0x1;
	s10 =	sld [smem:$0x3FB6];
	_ =	sdelay $0x3  }
0x37: {  	[smem:$0x3FB6] =	sst s10  }
0x38: {  	s10 =	sld [smem:$0x3FB7]  }
0x39: {  	_ = 	snop;
	(pc) =	sbr.ind lr, $3  }
0x3a: {  	_ = 	snop  }
0x3b: {  	_ = 	snop  }
0x3c: {  	p2 =	seq.s32 s10, $0x1;
	s10 =	sld [smem:$0x3FB6]  }
0x3d: {  	_ =	shalt  }
0x3e: {  	_ =	shalt  }
0x3f: {  	_ =	shalt  }
0x40: {  	_ =	shalt  }
0x41: {  	_ =	shalt  }
0x42: {  	_ =	shalt  }
0x43: {  	_ =	shalt  }
0x44: {  	_ =	shalt  }
0x45: {  	_ =	shalt  }
0x46: {  	_ =	shalt  }
0x47: {  	_ =	shalt  }
0x48: {  	_ =	shalt  }
0x49: {  	_ =	shalt  }
0x4a: {  	_ =	shalt  }
0x4b: {  	_ =	shalt  }
0x4c: {  	_ =	shalt  }
0x4d: {  	_ =	shalt  }
0x4e: {  	_ =	shalt  }
0x4f: {  	_ =	shalt  }
0x50: {  	_ =	shalt  }
0x51: {  	_ =	shalt  }
0x52: {  	_ =	shalt  }
0x53: {  	_ =	shalt  }
0x54: {  	_ =	shalt  }
0x55: {  	_ =	shalt  }
0x56: {  	_ =	shalt  }
0x57: {  	_ =	shalt  }
0x58: {  	_ =	shalt  }
0x59: {  	_ =	shalt  }
0x5a: {  	_ =	shalt  }
0x5b: {  	_ =	shalt  }
0x5c: {  	_ =	shalt  }
0x5d: {  	_ =	shalt  }
0x5e: {  	_ =	shalt  }
0x5f: {  	_ =	shalt  }
0x60: {  	_ =	shalt  }
0x61: {  	_ =	shalt  }
0x62: {  	_ =	shalt  }
0x63: {  	_ =	shalt  }
0x64: {  	_ =	shalt  }
0x65: {  	_ =	shalt  }
0x66: {  	_ =	shalt  }
0x67: {  	_ =	shalt  }
0x68: {  	_ =	shalt  }
0x69: {  	_ =	shalt  }
0x6a: {  	_ =	shalt  }
0x6b: {  	_ =	shalt  }
0x6c: {  	_ =	shalt  }
0x6d: {  	_ =	shalt  }
0x6e: {  	_ =	shalt  }
0x6f: {  	_ =	shalt  }
0x70: {  	_ =	shalt  }
0x71: {  	_ =	shalt  }
0x72: {  	_ =	shalt  }
0x73: {  	_ =	shalt  }
0x74: {  	_ =	shalt  }
0x75: {  	_ =	shalt  }
0x76: {  	_ =	shalt  }
0x77: {  	_ =	shalt  }
0x78: {  	_ =	shalt  }
0x79: {  	_ =	shalt  }
0x7a: {  	_ =	shalt  }
0x7b: {  	_ =	shalt  }
0x7c: {  	_ =	shalt  }
0x7d: {  	_ =	shalt  }
0x7e: {  	_ =	shalt  }
0x7f: {  	_ =	shalt  }
0x80: {  	_ =	shalt  }
0x81: {  	_ =	shalt  }
0x82: {  	_ =	shalt  }
0x83: {  	_ =	shalt  }
0x84: {  	_ =	shalt  }
0x85: {  	_ =	shalt  }
0x86: {  	_ =	shalt  }
0x87: {  	_ =	shalt  }
.Lfunc_end0:
.L_simem_size_0:
called_computation.1_lowered:
.L_overlay_start_0:
0x88: {  	s2 =	sld [smem:$0x3FD9]  }
0x89: {  	s3 =	sld [smem:$0x3FFE];
	_ =	sdelay $0x1  }
0x8a: {  	s1 =	srdreg.scid  }
0x8b: {  	s0 =	sand.u32 $0x1, s1  }
0x8c: {  	s17 =	sshll.u32 s0, $0xA;
	s2 =	sadd.s32 s3, s2  }
0x8d: {  	s2 =	sadd.s32 s2, s17  }
0x8e: {  	[smem:$0x3FC2] =	sst s2  }
0x8f: {  	_ = 	snop  }
0x90: {  	s2 =	sld [smem:$0x3FD0];
	(tm) =	ssettm $0x1  }
0x91: {  	s18 =	sld [smem:$0x3FFB];
	_ =	sdelay $0x3  }
0x92: {  	_ =	strace s18  }
0x93: {  	s3 =	sld [smem:$0x3FFC];
	_ =	sdelay $0x3  }
0x94: {  	_ =	strace s3  }
0x95: {  	s3 =	sld [smem:$0x3FFD];
	_ =	sdelay $0x3  }
0x96: {  	_ =	strace s3  }
0x97: {  	_ =	strace $0x8FFFFFFF  }
0x98: {  	s19 =	sld [smem:$0x3FDB];
	_ =	sdelay $0x1  }
0x99: {  	s4 =	simm.s32 $_scs_section_size  }
0x9a: {  	s5 =	simm.s32 $_size__tile_overlayer_lowered;
	s6 =	simm.s32 $_tile_overlayer_lowered  }
0x9b: {  	s22 =	simm.s32 $0x1BFF;
	s21 =	sshll.u32 s6, $0x1;
	s3 =	sadd.s32 s4, s19  }
0x9c: {  	s7 =	simm.s32 $0x0;
	s20 =	sshll.u32 s5, $0x1;
	s5 =	sadd.s32 s21, s3  }
0x9d: {  	[timem:s7], [sflag:s22] =	dma.local [hbm:s5], s20  }
0x9e: {  	_ =	swait.ge [sflag:s22], s20  }
0x9f: {  	s4 =	ssub.s32 $0x0, s20;
	[sflag:s22] =	ssyncset.done $0x0  }
0xa0: {  	[sflag:s22] =	ssyncadd.s32 s4;
	_ =	sdelay $0x1  }
0xa1: {  	s23 =	simm.s32 $0x1B8B  }
0xa2: {  	_ =	swait.ge [sflag:s23], $0x1  }
0xa3: {  	[sflag:s23] =	ssyncset.done $0x0  }
0xa4: {  	s25 =	simm.s32 $0x1B8E;
	s24 =	sld [smem:$0x3FFE];
	[sflag:s23] =	ssyncadd.s32 $0xFFFFFFFF  }
0xa5: {  	s26 =	simm.s32 $execute0_lowered;
	[smem:$0x3FD2] =	sst s25  }
0xa6: {  	s5 =	sshll.u32 s26, $0x1;
	_ =	strace $0x80000049;
	[dreg:$0x1] =	wrdreg $0xFFFFFFFF  }
0xa7: {  	s28 =	simm.s32 $_size_execute0_lowered;
	s3 =	sadd.s32 s3, s5;
	[dreg:$0x0] =	wrdreg $0x0  }
0xa8: {  	s5 =	sshll.u32 s28, $0x1;
	[dreg:$0x2] =	wrdreg s3  }
0xa9: {  	[dreg:$0x3] =	wrdreg s5  }
0xaa: {  	[dreg:$0x4] =	wrdreg $0xC0  }
0xab: {  	_ =	task [dreg:s7], $0x5FFFF  }
0xac: {  	[dreg:$0x1] =	wrdreg $0xFFFFFFFF  }
0xad: {  	[dreg:$0x0] =	wrdreg $0x60  }
0xae: {  	[dreg:$0x2] =	wrdreg s24  }
0xaf: {  	[dreg:$0x3] =	wrdreg s2  }
0xb0: {  	[dreg:$0x4] =	wrdreg $0x41000  }
0xb1: {  	[dreg:$0x5] =	wrdreg $0x9  }
0xb2: {  	_ =	task.clear_ibuf [dreg:s7], $0x6FFFF;
	_ =	strace $0x90000049  }
0xb3: {  	s29 =	simm.s32 $0x9;
	_ =	strace $0x8000004B  }
0xb4: {  	_ =	swait.ge [sflag:s29], $0x1  }
0xb5: {  	[sflag:s29] =	ssyncadd.s32 $0xFFFFFFFF  }
0xb6: {  	_ =	strace $0x9000004B  }
0xb7: {  	_ =	sfence  }
0xb8: {  	s30 =	sld [smem:$0x0];
	_ =	sdelay $0x2  }
0xb9: {  	s31 =	sshll.u32 s1, $0xD;
	s1 =	sshrl.u32 s1, $0x2  }
0xba: {  	s3 =	sand.u32 $0x4000, s31;
	s1 =	sadd.s32 s1, s30  }
0xbb: {  	s0 =	sor.u32 s3, s0;
	s1 =	sshll.u32 s1, $0x11  }
0xbc: {  	s0 =	sor.u32 s1, s0  }
0xbd: {  	s0 =	sadd.s32 $0x8F2B, s0  }
0xbe: {  	[sflag:s0] =	ssyncadd.remote.s32 $0x1  }
0xbf: {  	_ =	sfence.sel $0xFFFF  }
0xc0: {  	[dreg:$0x0] =	wrdreg $0xFFFFFFFF;
	(pc) =	sbr.abs _section_cstart, $3  }
0xc1: {  	[dreg:$0x1] =	wrdreg $0xFFFFFFFF  }
0xc2: {  	_ =	task.clear_ibuf [dreg:s7], $0x2FFFF;
	_ =	strace $0x9FFFFFFF  }
0xc3: {  	(tm) =	ssettm $0x7FFFFFFF  }
tec
execute0_lowered:
.L_overlay_start_1:
0x0: {  	(tag) =	ssettag $0x1  }
0x1: {  	s6 =	rddreg [dreg:$0x0];
	s1 =	srdreg.scid  }
0x2: {  	s0 =	stileid.u32;
	s9 =	rddreg [dreg:$0x1]  }
0x3: {  	s2 =	rddreg [dreg:$0x2];
	s3 =	simm.s32 $0x0;
	s4 =	smul.u32 $0x5100, s0  }
0x4: {  	s7 =	sand.u32 $0x1, s1;
	s1 =	rddreg [dreg:$0x3];
	s8 =	smul.u32 $0x14000, s0  }
0x5: {  	[smem:$0x7FF] =	sst s3;
	s13 =	sshll.u32 s0, $0x6;
	s5 =	smul.u32 $0x2880, s7  }
0x6: {  	s30 =	smul.u32 $0x140000, s7;
	_ =	strace $0x8000004A;
	s7 =	ssub.s32 $0x2, s7  }
0x7: {  	s31 =	sshrl.u32 s7, $0x1;
	s15 =	sadd.s32 s8, s2;
	s4 =	sadd.s32 s5, s4  }
0x8: {  	s12 =	sadd.s32 s8, s30;
	s5 =	sadd.s32 $0x34400, s6;
	s14 =	ssub.s32 s7, s31  }
0x9: {  	s10 =	sshrl.u32 s4, $0x3;
	s4 =	sadd.s32 $0xC400, s6;
	s12 =	sshrl.u32 s12, $0x3  }
0xa: {  	s8 =	smax.u32 s14, $0x1;
	s14 =	simm.s32 $0x100;
	s11 =	sadd.s32 s10, s6  }
0xb: {  	s12 =	sadd.s32 s12, s6;
	s6 =	sor.u32 $0x1C01, s13;
	s9 =	sadd.s32 s10, s9  }
0xc: {  	s13 =	simm.s32 $0x80;
	s7 =	sadd.s32 $0x36C00, s12;
	s10 =	sadd.s32 $0x2200, s11  }
0xd: {  	s11 =	sshrl.u32 s15, $0x3;
	s12 =	simm.s32 $0x1;
	s15 =	simm.s32 $0x0  }
.LBB2_1:
0xe: {  	[spmem:s11], [sflag:s6] =	dma.local [hbm:s5], $0x2800  }
0xf: {  	_ =	swait.ge [sflag:s12], $0x2800  }
0x10: {  	[sflag:s12] =	ssyncset.done $0x0  }
0x11: {  	[sflag:s12] =	ssyncadd.s32 $0xFFFFD800  }
0x12: {  	s16 =	sadd.s32 $0x0, s10;
	[bflag:$0x0] =	sbarrier.arrive $0xFFFF  }
0x13: {  	[tilespmem:s3], [sflag:$0x1] =	stream.linear.gather [hbm4b:s16+s3], $0x80, $0x38;
	[tilespmem:$0x18100] =	vst v63  }
0x14: {  	_ =	swait.ge [sflag:s12], $0x80  }
0x15: {  	[sflag:s12] =	ssyncset.done $0x0  }
0x16: {  	s31 =	sadd.s32 $0x0, s9;
	[sflag:s12] =	ssyncadd.s32 $0xFFFFFF80  }
0x17: {  	[tilespmem:s13], [sflag:$0x1] =	stream.linear.gather [hbm4b:s31+s3], $0x80, $0x38;
	[tilespmem:$0x18100] =	vst v63  }
0x18: {  	_ =	swait.ge [sflag:s12], $0x80  }
0x19: {  	[sflag:s12] =	ssyncset.done $0x0  }
0x1a: {  	[sflag:s12] =	ssyncadd.s32 $0xFFFFFF80  }
0x1b: {  	[tilespmem:s14], [sflag:$0x1] =	stream.indirect.gather [hbm4b:s4+s13], $0x80, s3, s13, $0xb8;
	[tilespmem:$0x18100] =	vst v63  }
0x1c: {  	_ =	swait.ge [sflag:s12], $0x4000  }
0x1d: {  	[sflag:s12] =	ssyncset.done $0x0  }
0x1e: {  	[sflag:s12] =	ssyncadd.s32 $0xFFFFC000  }
0x1f: {  	[spmem:s2] =	stream.indirect.scatter.add.f32 [tilespmem:s14], [sflag:$0x1], $0x80, s13, s13, $0xb8;
	[tilespmem:$0x18100] =	vst v63  }
0x20: {  	_ =	swait.ge [sflag:s12], $0x4000  }
0x21: {  	s17 =	simm.s32 $0x20;
	s16 =	simm.s32 $0x10;
	[sflag:s12] =	ssyncset.done $0x0  }
.LBB2_2:
0x22: {  	s18 =	sadd.s32 s16, s10  }
0x23: {  	[sflag:s12] =	ssyncadd.s32 $0xFFFFC000;
	s19 =	smov.u32 s17;
	s20 =	sadd.s32 $0x10, s17  }
0x24: {  	[tilespmem:s3], [sflag:$0x1] =	stream.linear.gather [hbm4b:s18+s3], $0x80, $0x38;
	[tilespmem:$0x18100] =	vst v63  }
0x25: {  	p0 =	sne.s32 s17, $0x500;
	_ =	swait.ge [sflag:s12], $0x80  }
0x26: {  	[sflag:s12] =	ssyncset.done $0x0  }
0x27: {  	s17 =	sadd.s32 s16, s9;
	s16 =	smov.u32 s19;
	[sflag:s12] =	ssyncadd.s32 $0xFFFFFF80  }
0x28: {  	[tilespmem:s13], [sflag:$0x1] =	stream.linear.gather [hbm4b:s17+s3], $0x80, $0x38;
	[tilespmem:$0x18100] =	vst v63  }
0x29: {  	_ =	swait.ge [sflag:s12], $0x80  }
0x2a: {  	[sflag:s12] =	ssyncset.done $0x0  }
0x2b: {  	[sflag:s12] =	ssyncadd.s32 $0xFFFFFF80  }
0x2c: {  	[tilespmem:s14], [sflag:$0x1] =	stream.indirect.gather [hbm4b:s4+s13], $0x80, s3, s13, $0xb8;
	[tilespmem:$0x18100] =	vst v63  }
0x2d: {  	_ =	swait.ge [sflag:s12], $0x4000  }
.Ltmp0:
0x2e: {  	[sflag:s12] =	ssyncset.done $0x0;
	(pc) =	sbr.rel @p0 .LBB2_2-.Ltmp0, $4  }
0x2f: {  	[sflag:s12] =	ssyncadd.s32 $0xFFFFC000  }
0x30: {  	[spmem:s2] =	stream.indirect.scatter.add.f32 [tilespmem:s14], [sflag:$0x1], $0x80, s13, s13, $0xb8;
	[tilespmem:$0x18100] =	vst v63  }
0x31: {  	_ =	swait.ge [sflag:s12], $0x4000  }
0x32: {  	s17 =	smov.u32 s20;
	[sflag:s12] =	ssyncset.done $0x0  }
0x33: {  	s17 =	sadd.s32 s16, s10;
	[sflag:s12] =	ssyncadd.s32 $0xFFFFC000  }
0x34: {  	[tilespmem:s3], [sflag:$0x1] =	stream.linear.gather [hbm4b:s17+s3], $0x80, $0x38;
	[tilespmem:$0x18100] =	vst v63  }
0x35: {  	_ =	swait.ge [sflag:s12], $0x80  }
0x36: {  	[sflag:s12] =	ssyncset.done $0x0  }
0x37: {  	s31 =	sadd.s32 s16, s9;
	[sflag:s12] =	ssyncadd.s32 $0xFFFFFF80  }
0x38: {  	[tilespmem:s13], [sflag:$0x1] =	stream.linear.gather [hbm4b:s31+s3], $0x80, $0x38;
	[tilespmem:$0x18100] =	vst v63  }
0x39: {  	_ =	swait.ge [sflag:s12], $0x80  }
0x3a: {  	[sflag:s12] =	ssyncset.done $0x0  }
0x3b: {  	[sflag:s12] =	ssyncadd.s32 $0xFFFFFF80  }
0x3c: {  	[tilespmem:s14], [sflag:$0x1] =	stream.indirect.gather [hbm4b:s4+s13], $0x80, s3, s13, $0xb8;
	[tilespmem:$0x18100] =	vst v63  }
0x3d: {  	_ =	swait.ge [sflag:s12], $0x4000  }
0x3e: {  	[sflag:s12] =	ssyncset.done $0x0  }
0x3f: {  	[sflag:s12] =	ssyncadd.s32 $0xFFFFC000  }
0x40: {  	[spmem:s2] =	stream.indirect.scatter.add.f32 [tilespmem:s14], [sflag:$0x1], $0x80, s13, s13, $0xb8;
	[tilespmem:$0x18100] =	vst v63  }
0x41: {  	_ =	swait.ge [sflag:s12], $0x4000  }
0x42: {  	s15 =	sadd.s32 $0x1, s15;
	[sflag:s12] =	ssyncset.done $0x0  }
0x43: {  	p0 =	sne.s32 s15, s8;
	[sflag:s12] =	ssyncadd.s32 $0xFFFFC000  }
.Ltmp1:
0x44: {  	[bflag:$0x0] =	sbarrier.arrive $0xFFFF;
	(pc) =	sbr.rel @p0 .LBB2_1-.Ltmp1, $4  }
0x45: {  	[hbm:s7], [sflag:s6] =	dma.local [spmem:s11], $0x2800  }
0x46: {  	_ =	swait.ge [sflag:s12], $0x2800  }
0x47: {  	[sflag:s12] =	ssyncset.done $0x0  }
0x48: {  	[sflag:s12] =	ssyncadd.s32 $0xFFFFD800  }
0x49: {  	_ =	sfence.sel $0x180000  }
0x4a: {  	[bflag:$0x0] =	sbarrier.arrive $0xFFFF  }
0x4b: {  	p0 =	sne.s32 s0, $0x0;
	_ =	strace $0x9000004A  }
0x4c: {  	s0 =	sadd.s32 @!p0 $0x100000, s1;
	[bflag:$0x2] =	sbarrier.arrive $0xFFFF  }
0x4d: {  	[sflag:s0] =	ssyncadd.tile.s32 @!p0 $0x1;
	_ =	shalt  }
.Lfunc_end2:
_tile_overlayer_lowered:
.L_overlay_start_2:
0x4e: {  	(tag) =	ssettag $0x2  }
0x4f: {  	s0 =	rddreg [dreg:$0x0];
	s2 =	stileid.u32  }
0x50: {  	s1 =	rddreg [dreg:$0x1];
	p0 =	sne.s32 s2, $0x0  }
0x51: {  	s3 =	rddreg [dreg:$0x2];
	[bflag:$0x3] =	sbarrier.arrive $0xFFFF;
	s2 =	simm.s32 @!p0 $0x1C01  }
0x52: {  	[timem:s3], [sflag:s2] =	dma.local @!p0 [hbm:s0], s1  }
0x53: {  	s0 =	simm.s32 @!p0 $0x1  }
0x54: {  	_ =	swait.ge @!p0 [sflag:s0], s1  }
0x55: {  	s1 =	ssub.s32 @!p0 $0x0, s1;
	[sflag:s0] =	ssyncset.done @!p0 $0x0  }
0x56: {  	[sflag:s0] =	ssyncadd.s32 @!p0 s1  }
0x57: {  	[bflag:$0x3] =	sbarrier.arrive $0xFFFF  }
0x58: {  	_ =	shalt  }

// kernel: kernel.14.cloned.1.call-start
scs
__scs_entry_jumppad:
0x0: {  	(pc) =	sbr.rel $0x88, $3  }
0x1: {  	(tag) =	ssettag $0x0;
	lr =	simm.s32 $0x1  }
0x2: {  	[smem:$0x3F9B] =	sst lr;
	_ =	strace $0xD0000000  }
0x3: {  	_ = 	snop  }
0x4: {  	_ = 	snop  }
0x5: {  	_ = 	snop  }
0x6: {  	_ = 	snop  }
0x7: {  	_ = 	snop  }
__scs_overlays_trampoline_lowered:
0x8: {  	[smem:$0x3FAA] =	sst s0  }
0x9: {  	[smem:$0x3FAB] =	sst s1  }
0xa: {  	[smem:$0x3FAC] =	sst s2  }
0xb: {  	[smem:$0x3FAD] =	sst s3  }
0xc: {  	[smem:$0x3FAE] =	sst s4  }
0xd: {  	[smem:$0x3FAF] =	sst s5  }
0xe: {  	[smem:$0x3FB0] =	sst s6  }
0xf: {  	[smem:$0x3FB1] =	sst s7  }
0x10: {  	[smem:$0x3FB2] =	sst s8  }
0x11: {  	[smem:$0x3FB3] =	sst s9;
	s0 =	simm.s32 @!p0 $0x0  }
0x12: {  	s1 =	sld [smem:$0x3F99];
	s0 =	simm.s32 @p0 $0x1  }
0x13: {  	[smem:$0x3FB4] =	sst s0;
	s0 =	simm.s32 @!p1 $0x0  }
0x14: {  	s2 =	sld [smem:$0x3F98];
	s0 =	simm.s32 @p1 $0x1  }
0x15: {  	[smem:$0x3FB5] =	sst s0;
	s0 =	simm.s32 @!p2 $0x0  }
0x16: {  	s3 =	sld [smem:$0x3FDB];
	s0 =	simm.s32 @p2 $0x1  }
0x17: {  	s4 =	simm.s32 $0x1BF5;
	[smem:$0x3FB7] =	sst s0  }
0x18: {  	s0 =	sld [smem:$0x3F9A];
	_ =	swait.ge [sflag:s4], $0x0  }
0x19: {  	s7 =	sld [smem:$0x3F9B]  }
0x1a: {  	s8 =	sadd.s32 $0xFFFFE003, lr  }
0x1b: {  	s9 =	sadd.s32 $0xFFFFFEF7, lr;
	s5 =	simm.s32 $0xFFFFFFFF;
	p2 =	slt.u32 s8, $0xFFFFF086  }
0x1c: {  	p1 =	slt.u32 s9, $0xF7A;
	s5 =	simm.s32 @!p2 $0x0  }
0x1d: {  	s5 =	simm.s32 @p1 $0x1;
	p0 =	seq.s32 s7, s2  }
0x1e: {  	s7 =	smul.u32 @!p0 $0xF7A, s2;
	p2 =	seq.s32 @!p0 s5, $0x0  }
0x1f: {  	s9 =	smul.u32 $0xF7A, s1;
	s8 =	simm.s32 @!p0 $0x1BF5;
	p2 =	por !p2, p0  }
0x20: {  	[sflag:s8] =	ssyncset.s32 @!p0 $0xFFFFF086;
	s6 =	sadd.s32 @!p0 s3, s7;
	s7 =	simm.s32 @!p0 $0x108  }
0x21: {  	s3 =	sadd.s32 s3, s9;
	s6 =	sadd.s32 @!p0 $0x88, s6;
	s7 =	simm.s32 @p2 $0x1082  }
0x22: {  	[simem:s7], [sflag:s8] =	dma.local @!p0 [hbm:s6], $0xF7A  }
0x23: {  	s9 =	sor.u32 $0xD0000000, s2;
	s6 =	simm.s32 $0x108;
	_ =	swait.ge @!p0 [sflag:s8], $0x0  }
0x24: {  	s3 =	sadd.s32 $0x88, s3;
	s6 =	simm.s32 @!p1 $0x1082;
	[sflag:s4] =	ssyncset.s32 $0xFFFFF086  }
0x25: {  	[simem:s6], [sflag:s4] =	dma.local [hbm:s3], $0xF7A  }
0x26: {  	[smem:$0x3F9B] =	sst s1;
	(tag) =	ssettag s2;
	_ =	strace s9  }
0x27: {  	s1 =	sld [smem:$0x3FAB]  }
0x28: {  	s2 =	sld [smem:$0x3FAC]  }
0x29: {  	s4 =	sld [smem:$0x3FAE]  }
0x2a: {  	p0 =	seq.s32 s5, $0x0;
	s5 =	sld [smem:$0x3FAF]  }
0x2b: {  	s6 =	sld [smem:$0x3FB0]  }
0x2c: {  	s7 =	sld [smem:$0x3FB1]  }
0x2d: {  	s3 =	simm.s32 $0x108;
	s8 =	sld [smem:$0x3FB2]  }
0x2e: {  	s3 =	simm.s32 @!p0 $0x1082;
	s9 =	sld [smem:$0x3FB3]  }
0x2f: {  	lr =	sadd.s32 s0, s3;
	s0 =	sld [smem:$0x3FAA]  }
0x30: {  	s3 =	sld [smem:$0x3FAD]  }
0x31: {  	[smem:$0x3FB6] =	sst s10  }
0x32: {  	s10 =	sld [smem:$0x3FB4];
	_ =	sdelay $0x3  }
0x33: {  	p0 =	seq.s32 s10, $0x1;
	s10 =	sld [smem:$0x3FB6];
	_ =	sdelay $0x3  }
0x34: {  	[smem:$0x3FB6] =	sst s10  }
0x35: {  	s10 =	sld [smem:$0x3FB5];
	_ =	sdelay $0x3  }
0x36: {  	p1 =	seq.s32 s10, $0x1;
	s10 =	sld [smem:$0x3FB6];
	_ =	sdelay $0x3  }
0x37: {  	[smem:$0x3FB6] =	sst s10  }
0x38: {  	s10 =	sld [smem:$0x3FB7]  }
0x39: {  	_ = 	snop;
	(pc) =	sbr.ind lr, $3  }
0x3a: {  	_ = 	snop  }
0x3b: {  	_ = 	snop  }
0x3c: {  	p2 =	seq.s32 s10, $0x1;
	s10 =	sld [smem:$0x3FB6]  }
0x3d: {  	_ =	shalt  }
0x3e: {  	_ =	shalt  }
0x3f: {  	_ =	shalt  }
0x40: {  	_ =	shalt  }
0x41: {  	_ =	shalt  }
0x42: {  	_ =	shalt  }
0x43: {  	_ =	shalt  }
0x44: {  	_ =	shalt  }
0x45: {  	_ =	shalt  }
0x46: {  	_ =	shalt  }
0x47: {  	_ =	shalt  }
0x48: {  	_ =	shalt  }
0x49: {  	_ =	shalt  }
0x4a: {  	_ =	shalt  }
0x4b: {  	_ =	shalt  }
0x4c: {  	_ =	shalt  }
0x4d: {  	_ =	shalt  }
0x4e: {  	_ =	shalt  }
0x4f: {  	_ =	shalt  }
0x50: {  	_ =	shalt  }
0x51: {  	_ =	shalt  }
0x52: {  	_ =	shalt  }
0x53: {  	_ =	shalt  }
0x54: {  	_ =	shalt  }
0x55: {  	_ =	shalt  }
0x56: {  	_ =	shalt  }
0x57: {  	_ =	shalt  }
0x58: {  	_ =	shalt  }
0x59: {  	_ =	shalt  }
0x5a: {  	_ =	shalt  }
0x5b: {  	_ =	shalt  }
0x5c: {  	_ =	shalt  }
0x5d: {  	_ =	shalt  }
0x5e: {  	_ =	shalt  }
0x5f: {  	_ =	shalt  }
0x60: {  	_ =	shalt  }
0x61: {  	_ =	shalt  }
0x62: {  	_ =	shalt  }
0x63: {  	_ =	shalt  }
0x64: {  	_ =	shalt  }
0x65: {  	_ =	shalt  }
0x66: {  	_ =	shalt  }
0x67: {  	_ =	shalt  }
0x68: {  	_ =	shalt  }
0x69: {  	_ =	shalt  }
0x6a: {  	_ =	shalt  }
0x6b: {  	_ =	shalt  }
0x6c: {  	_ =	shalt  }
0x6d: {  	_ =	shalt  }
0x6e: {  	_ =	shalt  }
0x6f: {  	_ =	shalt  }
0x70: {  	_ =	shalt  }
0x71: {  	_ =	shalt  }
0x72: {  	_ =	shalt  }
0x73: {  	_ =	shalt  }
0x74: {  	_ =	shalt  }
0x75: {  	_ =	shalt  }
0x76: {  	_ =	shalt  }
0x77: {  	_ =	shalt  }
0x78: {  	_ =	shalt  }
0x79: {  	_ =	shalt  }
0x7a: {  	_ =	shalt  }
0x7b: {  	_ =	shalt  }
0x7c: {  	_ =	shalt  }
0x7d: {  	_ =	shalt  }
0x7e: {  	_ =	shalt  }
0x7f: {  	_ =	shalt  }
0x80: {  	_ =	shalt  }
0x81: {  	_ =	shalt  }
0x82: {  	_ =	shalt  }
0x83: {  	_ =	shalt  }
0x84: {  	_ =	shalt  }
0x85: {  	_ =	shalt  }
0x86: {  	_ =	shalt  }
0x87: {  	_ =	shalt  }
.Lfunc_end0:
.L_simem_size_0:
called_computation.2_lowered:
.L_overlay_start_0:
0x88: {  	s2 =	sld [smem:$0x3FD9]  }
0x89: {  	s3 =	sld [smem:$0x3FFE];
	_ =	sdelay $0x1  }
0x8a: {  	s1 =	srdreg.scid  }
0x8b: {  	s0 =	sand.u32 $0x1, s1  }
0x8c: {  	s17 =	sshll.u32 s0, $0xA;
	s2 =	sadd.s32 s3, s2  }
0x8d: {  	s2 =	sadd.s32 s2, s17  }
0x8e: {  	[smem:$0x3FC2] =	sst s2  }
0x8f: {  	_ = 	snop  }
0x90: {  	s2 =	sld [smem:$0x3FD0];
	(tm) =	ssettm $0x1  }
0x91: {  	s18 =	sld [smem:$0x3FFB];
	_ =	sdelay $0x3  }
0x92: {  	_ =	strace s18  }
0x93: {  	s3 =	sld [smem:$0x3FFC];
	_ =	sdelay $0x3  }
0x94: {  	_ =	strace s3  }
0x95: {  	s3 =	sld [smem:$0x3FFD];
	_ =	sdelay $0x3  }
0x96: {  	_ =	strace s3  }
0x97: {  	_ =	strace $0x8FFFFFFF  }
0x98: {  	s19 =	sld [smem:$0x3FDB];
	_ =	sdelay $0x1  }
0x99: {  	s4 =	simm.s32 $_scs_section_size  }
0x9a: {  	s5 =	simm.s32 $_size__tile_overlayer_lowered;
	s6 =	simm.s32 $_tile_overlayer_lowered  }
0x9b: {  	s22 =	simm.s32 $0x1BFF;
	s21 =	sshll.u32 s6, $0x1;
	s3 =	sadd.s32 s4, s19  }
0x9c: {  	s7 =	simm.s32 $0x0;
	s20 =	sshll.u32 s5, $0x1;
	s5 =	sadd.s32 s21, s3  }
0x9d: {  	[timem:s7], [sflag:s22] =	dma.local [hbm:s5], s20  }
0x9e: {  	_ =	swait.ge [sflag:s22], s20  }
0x9f: {  	s4 =	ssub.s32 $0x0, s20;
	[sflag:s22] =	ssyncset.done $0x0  }
0xa0: {  	[sflag:s22] =	ssyncadd.s32 s4;
	_ =	sdelay $0x1  }
0xa1: {  	s23 =	simm.s32 $0x1B8B  }
0xa2: {  	_ =	swait.ge [sflag:s23], $0x1  }
0xa3: {  	[sflag:s23] =	ssyncset.done $0x0  }
0xa4: {  	s25 =	simm.s32 $0x1B8E;
	s24 =	sld [smem:$0x3FFE];
	[sflag:s23] =	ssyncadd.s32 $0xFFFFFFFF  }
0xa5: {  	s26 =	simm.s32 $execute0_lowered;
	[smem:$0x3FD2] =	sst s25  }
0xa6: {  	s5 =	sshll.u32 s26, $0x1;
	_ =	strace $0x8000004C;
	[dreg:$0x1] =	wrdreg $0xFFFFFFFF  }
0xa7: {  	s28 =	simm.s32 $_size_execute0_lowered;
	s3 =	sadd.s32 s3, s5;
	[dreg:$0x0] =	wrdreg $0x0  }
0xa8: {  	s5 =	sshll.u32 s28, $0x1;
	[dreg:$0x2] =	wrdreg s3  }
0xa9: {  	[dreg:$0x3] =	wrdreg s5  }
0xaa: {  	[dreg:$0x4] =	wrdreg $0xC0  }
0xab: {  	_ =	task [dreg:s7], $0x5FFFF  }
0xac: {  	[dreg:$0x1] =	wrdreg $0xFFFFFFFF  }
0xad: {  	[dreg:$0x0] =	wrdreg $0x60  }
0xae: {  	[dreg:$0x2] =	wrdreg s24  }
0xaf: {  	[dreg:$0x3] =	wrdreg s2  }
0xb0: {  	[dreg:$0x4] =	wrdreg $0x21000  }
0xb1: {  	[dreg:$0x5] =	wrdreg $0x9  }
0xb2: {  	_ =	task.clear_ibuf [dreg:s7], $0x6FFFF;
	_ =	strace $0x9000004C  }
0xb3: {  	s29 =	simm.s32 $0x9;
	_ =	strace $0x8000004E  }
0xb4: {  	_ =	swait.ge [sflag:s29], $0x1  }
0xb5: {  	[sflag:s29] =	ssyncadd.s32 $0xFFFFFFFF  }
0xb6: {  	_ =	strace $0x9000004E  }
0xb7: {  	_ =	sfence  }
0xb8: {  	s30 =	sld [smem:$0x0];
	_ =	sdelay $0x2  }
0xb9: {  	s31 =	sshll.u32 s1, $0xD;
	s1 =	sshrl.u32 s1, $0x2  }
0xba: {  	s3 =	sand.u32 $0x4000, s31;
	s1 =	sadd.s32 s1, s30  }
0xbb: {  	s0 =	sor.u32 s3, s0;
	s1 =	sshll.u32 s1, $0x11  }
0xbc: {  	s0 =	sor.u32 s1, s0  }
0xbd: {  	s0 =	sadd.s32 $0x8F2B, s0  }
0xbe: {  	[sflag:s0] =	ssyncadd.remote.s32 $0x1  }
0xbf: {  	_ =	sfence.sel $0xFFFF  }
0xc0: {  	[dreg:$0x0] =	wrdreg $0xFFFFFFFF;
	(pc) =	sbr.abs _section_cstart, $3  }
0xc1: {  	[dreg:$0x1] =	wrdreg $0xFFFFFFFF  }
0xc2: {  	_ =	task.clear_ibuf [dreg:s7], $0x2FFFF;
	_ =	strace $0x9FFFFFFF  }
0xc3: {  	(tm) =	ssettm $0x7FFFFFFF  }
tec
execute0_lowered:
.L_overlay_start_1:
0x0: {  	(tag) =	ssettag $0x1  }
0x1: {  	s6 =	rddreg [dreg:$0x0];
	s1 =	srdreg.scid  }
0x2: {  	s0 =	stileid.u32;
	s9 =	rddreg [dreg:$0x1]  }
0x3: {  	s2 =	rddreg [dreg:$0x2];
	s3 =	simm.s32 $0x0;
	s4 =	smul.u32 $0x5100, s0  }
0x4: {  	s7 =	sand.u32 $0x1, s1;
	s1 =	rddreg [dreg:$0x3];
	s8 =	smul.u32 $0xA000, s0  }
0x5: {  	[smem:$0x7FF] =	sst s3;
	s13 =	sshll.u32 s0, $0x6;
	s5 =	smul.u32 $0x2880, s7  }
0x6: {  	s30 =	smul.u32 $0xA0000, s7;
	_ =	strace $0x8000004D;
	s7 =	ssub.s32 $0x2, s7  }
0x7: {  	s31 =	sshrl.u32 s7, $0x1;
	s15 =	sadd.s32 s8, s2;
	s4 =	sadd.s32 s5, s4  }
0x8: {  	s12 =	sadd.s32 s8, s30;
	s5 =	sadd.s32 $0x20400, s6;
	s14 =	ssub.s32 s7, s31  }
0x9: {  	s10 =	sshrl.u32 s4, $0x3;
	s4 =	sadd.s32 $0xC400, s6;
	s12 =	sshrl.u32 s12, $0x3  }
0xa: {  	s8 =	smax.u32 s14, $0x1;
	s14 =	simm.s32 $0x100;
	s11 =	sadd.s32 s10, s6  }
0xb: {  	s12 =	sadd.s32 s12, s6;
	s6 =	sor.u32 $0x1C01, s13;
	s9 =	sadd.s32 s10, s9  }
0xc: {  	s13 =	simm.s32 $0x80;
	s7 =	sadd.s32 $0x21800, s12;
	s10 =	sadd.s32 $0x2200, s11  }
0xd: {  	s11 =	sshrl.u32 s15, $0x3;
	s12 =	simm.s32 $0x1;
	s15 =	simm.s32 $0x0  }
.LBB2_1:
0xe: {  	[spmem:s11], [sflag:s6] =	dma.local [hbm:s5], $0x1400  }
0xf: {  	_ =	swait.ge [sflag:s12], $0x1400  }
0x10: {  	[sflag:s12] =	ssyncset.done $0x0  }
0x11: {  	[sflag:s12] =	ssyncadd.s32 $0xFFFFEC00  }
0x12: {  	s16 =	sadd.s32 $0x0, s10;
	[bflag:$0x0] =	sbarrier.arrive $0xFFFF  }
0x13: {  	[tilespmem:s3], [sflag:$0x1] =	stream.linear.gather [hbm4b:s16+s3], $0x80, $0x38;
	[tilespmem:$0xC100] =	vst v63  }
0x14: {  	_ =	swait.ge [sflag:s12], $0x80  }
0x15: {  	[sflag:s12] =	ssyncset.done $0x0  }
0x16: {  	s31 =	sadd.s32 $0x0, s9;
	[sflag:s12] =	ssyncadd.s32 $0xFFFFFF80  }
0x17: {  	[tilespmem:s13], [sflag:$0x1] =	stream.linear.gather [hbm4b:s31+s3], $0x80, $0x38;
	[tilespmem:$0xC100] =	vst v63  }
0x18: {  	_ =	swait.ge [sflag:s12], $0x80  }
0x19: {  	[sflag:s12] =	ssyncset.done $0x0  }
0x1a: {  	[sflag:s12] =	ssyncadd.s32 $0xFFFFFF80  }
0x1b: {  	[tilespmem:s14], [sflag:$0x1] =	stream.indirect.gather [hbm4b:s4+s13], $0x40, s3, s13, $0xb8;
	[tilespmem:$0xC100] =	vst v63  }
0x1c: {  	_ =	swait.ge [sflag:s12], $0x2000  }
0x1d: {  	[sflag:s12] =	ssyncset.done $0x0  }
0x1e: {  	[sflag:s12] =	ssyncadd.s32 $0xFFFFE000  }
0x1f: {  	[spmem:s2] =	stream.indirect.scatter.add.f32 [tilespmem:s14], [sflag:$0x1], $0x40, s13, s13, $0xb8;
	[tilespmem:$0xC100] =	vst v63  }
0x20: {  	_ =	swait.ge [sflag:s12], $0x2000  }
0x21: {  	s17 =	simm.s32 $0x20;
	s16 =	simm.s32 $0x10;
	[sflag:s12] =	ssyncset.done $0x0  }
.LBB2_2:
0x22: {  	s18 =	sadd.s32 s16, s10  }
0x23: {  	[sflag:s12] =	ssyncadd.s32 $0xFFFFE000;
	s19 =	smov.u32 s17;
	s20 =	sadd.s32 $0x10, s17  }
0x24: {  	[tilespmem:s3], [sflag:$0x1] =	stream.linear.gather [hbm4b:s18+s3], $0x80, $0x38;
	[tilespmem:$0xC100] =	vst v63  }
0x25: {  	p0 =	sne.s32 s17, $0x500;
	_ =	swait.ge [sflag:s12], $0x80  }
0x26: {  	[sflag:s12] =	ssyncset.done $0x0  }
0x27: {  	s17 =	sadd.s32 s16, s9;
	s16 =	smov.u32 s19;
	[sflag:s12] =	ssyncadd.s32 $0xFFFFFF80  }
0x28: {  	[tilespmem:s13], [sflag:$0x1] =	stream.linear.gather [hbm4b:s17+s3], $0x80, $0x38;
	[tilespmem:$0xC100] =	vst v63  }
0x29: {  	_ =	swait.ge [sflag:s12], $0x80  }
0x2a: {  	[sflag:s12] =	ssyncset.done $0x0  }
0x2b: {  	[sflag:s12] =	ssyncadd.s32 $0xFFFFFF80  }
0x2c: {  	[tilespmem:s14], [sflag:$0x1] =	stream.indirect.gather [hbm4b:s4+s13], $0x40, s3, s13, $0xb8;
	[tilespmem:$0xC100] =	vst v63  }
0x2d: {  	_ =	swait.ge [sflag:s12], $0x2000  }
.Ltmp0:
0x2e: {  	[sflag:s12] =	ssyncset.done $0x0;
	(pc) =	sbr.rel @p0 .LBB2_2-.Ltmp0, $4  }
0x2f: {  	[sflag:s12] =	ssyncadd.s32 $0xFFFFE000  }
0x30: {  	[spmem:s2] =	stream.indirect.scatter.add.f32 [tilespmem:s14], [sflag:$0x1], $0x40, s13, s13, $0xb8;
	[tilespmem:$0xC100] =	vst v63  }
0x31: {  	_ =	swait.ge [sflag:s12], $0x2000  }
0x32: {  	s17 =	smov.u32 s20;
	[sflag:s12] =	ssyncset.done $0x0  }
0x33: {  	s17 =	sadd.s32 s16, s10;
	[sflag:s12] =	ssyncadd.s32 $0xFFFFE000  }
0x34: {  	[tilespmem:s3], [sflag:$0x1] =	stream.linear.gather [hbm4b:s17+s3], $0x80, $0x38;
	[tilespmem:$0xC100] =	vst v63  }
0x35: {  	_ =	swait.ge [sflag:s12], $0x80  }
0x36: {  	[sflag:s12] =	ssyncset.done $0x0  }
0x37: {  	s31 =	sadd.s32 s16, s9;
	[sflag:s12] =	ssyncadd.s32 $0xFFFFFF80  }
0x38: {  	[tilespmem:s13], [sflag:$0x1] =	stream.linear.gather [hbm4b:s31+s3], $0x80, $0x38;
	[tilespmem:$0xC100] =	vst v63  }
0x39: {  	_ =	swait.ge [sflag:s12], $0x80  }
0x3a: {  	[sflag:s12] =	ssyncset.done $0x0  }
0x3b: {  	[sflag:s12] =	ssyncadd.s32 $0xFFFFFF80  }
0x3c: {  	[tilespmem:s14], [sflag:$0x1] =	stream.indirect.gather [hbm4b:s4+s13], $0x40, s3, s13, $0xb8;
	[tilespmem:$0xC100] =	vst v63  }
0x3d: {  	_ =	swait.ge [sflag:s12], $0x2000  }
0x3e: {  	[sflag:s12] =	ssyncset.done $0x0  }
0x3f: {  	[sflag:s12] =	ssyncadd.s32 $0xFFFFE000  }
0x40: {  	[spmem:s2] =	stream.indirect.scatter.add.f32 [tilespmem:s14], [sflag:$0x1], $0x40, s13, s13, $0xb8;
	[tilespmem:$0xC100] =	vst v63  }
0x41: {  	_ =	swait.ge [sflag:s12], $0x2000  }
0x42: {  	s15 =	sadd.s32 $0x1, s15;
	[sflag:s12] =	ssyncset.done $0x0  }
0x43: {  	p0 =	sne.s32 s15, s8;
	[sflag:s12] =	ssyncadd.s32 $0xFFFFE000  }
.Ltmp1:
0x44: {  	[bflag:$0x0] =	sbarrier.arrive $0xFFFF;
	(pc) =	sbr.rel @p0 .LBB2_1-.Ltmp1, $4  }
0x45: {  	[hbm:s7], [sflag:s6] =	dma.local [spmem:s11], $0x1400  }
0x46: {  	_ =	swait.ge [sflag:s12], $0x1400  }
0x47: {  	[sflag:s12] =	ssyncset.done $0x0  }
0x48: {  	[sflag:s12] =	ssyncadd.s32 $0xFFFFEC00  }
0x49: {  	_ =	sfence.sel $0x180000  }
0x4a: {  	[bflag:$0x0] =	sbarrier.arrive $0xFFFF  }
0x4b: {  	p0 =	sne.s32 s0, $0x0;
	_ =	strace $0x9000004D  }
0x4c: {  	s0 =	sadd.s32 @!p0 $0x100000, s1;
	[bflag:$0x2] =	sbarrier.arrive $0xFFFF  }
0x4d: {  	[sflag:s0] =	ssyncadd.tile.s32 @!p0 $0x1;
	_ =	shalt  }
.Lfunc_end2:
_tile_overlayer_lowered:
.L_overlay_start_2:
0x4e: {  	(tag) =	ssettag $0x2  }
0x4f: {  	s0 =	rddreg [dreg:$0x0];
	s2 =	stileid.u32  }
0x50: {  	s1 =	rddreg [dreg:$0x1];
	p0 =	sne.s32 s2, $0x0  }
0x51: {  	s3 =	rddreg [dreg:$0x2];
	[bflag:$0x3] =	sbarrier.arrive $0xFFFF;
	s2 =	simm.s32 @!p0 $0x1C01  }
0x52: {  	[timem:s3], [sflag:s2] =	dma.local @!p0 [hbm:s0], s1  }
0x53: {  	s0 =	simm.s32 @!p0 $0x1  }
0x54: {  	_ =	swait.ge @!p0 [sflag:s0], s1  }
0x55: {  	s1 =	ssub.s32 @!p0 $0x0, s1;
	[sflag:s0] =	ssyncset.done @!p0 $0x0  }
0x56: {  	[sflag:s0] =	ssyncadd.s32 @!p0 s1  }
0x57: {  	[bflag:$0x3] =	sbarrier.arrive $0xFFFF  }
0x58: {  	_ =	shalt  }

// kernel: kernel.8.cloned.1.call-start
scs
__scs_entry_jumppad:
0x0: {  	(pc) =	sbr.rel $0x88, $3  }
0x1: {  	(tag) =	ssettag $0x0;
	lr =	simm.s32 $0x1  }
0x2: {  	[smem:$0x3F9B] =	sst lr;
	_ =	strace $0xD0000000  }
0x3: {  	_ = 	snop  }
0x4: {  	_ = 	snop  }
0x5: {  	_ = 	snop  }
0x6: {  	_ = 	snop  }
0x7: {  	_ = 	snop  }
__scs_overlays_trampoline_lowered:
0x8: {  	[smem:$0x3FAA] =	sst s0  }
0x9: {  	[smem:$0x3FAB] =	sst s1  }
0xa: {  	[smem:$0x3FAC] =	sst s2  }
0xb: {  	[smem:$0x3FAD] =	sst s3  }
0xc: {  	[smem:$0x3FAE] =	sst s4  }
0xd: {  	[smem:$0x3FAF] =	sst s5  }
0xe: {  	[smem:$0x3FB0] =	sst s6  }
0xf: {  	[smem:$0x3FB1] =	sst s7  }
0x10: {  	[smem:$0x3FB2] =	sst s8  }
0x11: {  	[smem:$0x3FB3] =	sst s9;
	s0 =	simm.s32 @!p0 $0x0  }
0x12: {  	s1 =	sld [smem:$0x3F99];
	s0 =	simm.s32 @p0 $0x1  }
0x13: {  	[smem:$0x3FB4] =	sst s0;
	s0 =	simm.s32 @!p1 $0x0  }
0x14: {  	s2 =	sld [smem:$0x3F98];
	s0 =	simm.s32 @p1 $0x1  }
0x15: {  	[smem:$0x3FB5] =	sst s0;
	s0 =	simm.s32 @!p2 $0x0  }
0x16: {  	s3 =	sld [smem:$0x3FDB];
	s0 =	simm.s32 @p2 $0x1  }
0x17: {  	s4 =	simm.s32 $0x1BF5;
	[smem:$0x3FB7] =	sst s0  }
0x18: {  	s0 =	sld [smem:$0x3F9A];
	_ =	swait.ge [sflag:s4], $0x0  }
0x19: {  	s7 =	sld [smem:$0x3F9B]  }
0x1a: {  	s8 =	sadd.s32 $0xFFFFE003, lr  }
0x1b: {  	s9 =	sadd.s32 $0xFFFFFEF7, lr;
	s5 =	simm.s32 $0xFFFFFFFF;
	p2 =	slt.u32 s8, $0xFFFFF086  }
0x1c: {  	p1 =	slt.u32 s9, $0xF7A;
	s5 =	simm.s32 @!p2 $0x0  }
0x1d: {  	s5 =	simm.s32 @p1 $0x1;
	p0 =	seq.s32 s7, s2  }
0x1e: {  	s7 =	smul.u32 @!p0 $0xF7A, s2;
	p2 =	seq.s32 @!p0 s5, $0x0  }
0x1f: {  	s9 =	smul.u32 $0xF7A, s1;
	s8 =	simm.s32 @!p0 $0x1BF5;
	p2 =	por !p2, p0  }
0x20: {  	[sflag:s8] =	ssyncset.s32 @!p0 $0xFFFFF086;
	s6 =	sadd.s32 @!p0 s3, s7;
	s7 =	simm.s32 @!p0 $0x108  }
0x21: {  	s3 =	sadd.s32 s3, s9;
	s6 =	sadd.s32 @!p0 $0x88, s6;
	s7 =	simm.s32 @p2 $0x1082  }
0x22: {  	[simem:s7], [sflag:s8] =	dma.local @!p0 [hbm:s6], $0xF7A  }
0x23: {  	s9 =	sor.u32 $0xD0000000, s2;
	s6 =	simm.s32 $0x108;
	_ =	swait.ge @!p0 [sflag:s8], $0x0  }
0x24: {  	s3 =	sadd.s32 $0x88, s3;
	s6 =	simm.s32 @!p1 $0x1082;
	[sflag:s4] =	ssyncset.s32 $0xFFFFF086  }
0x25: {  	[simem:s6], [sflag:s4] =	dma.local [hbm:s3], $0xF7A  }
0x26: {  	[smem:$0x3F9B] =	sst s1;
	(tag) =	ssettag s2;
	_ =	strace s9  }
0x27: {  	s1 =	sld [smem:$0x3FAB]  }
0x28: {  	s2 =	sld [smem:$0x3FAC]  }
0x29: {  	s4 =	sld [smem:$0x3FAE]  }
0x2a: {  	p0 =	seq.s32 s5, $0x0;
	s5 =	sld [smem:$0x3FAF]  }
0x2b: {  	s6 =	sld [smem:$0x3FB0]  }
0x2c: {  	s7 =	sld [smem:$0x3FB1]  }
0x2d: {  	s3 =	simm.s32 $0x108;
	s8 =	sld [smem:$0x3FB2]  }
0x2e: {  	s3 =	simm.s32 @!p0 $0x1082;
	s9 =	sld [smem:$0x3FB3]  }
0x2f: {  	lr =	sadd.s32 s0, s3;
	s0 =	sld [smem:$0x3FAA]  }
0x30: {  	s3 =	sld [smem:$0x3FAD]  }
0x31: {  	[smem:$0x3FB6] =	sst s10  }
0x32: {  	s10 =	sld [smem:$0x3FB4];
	_ =	sdelay $0x3  }
0x33: {  	p0 =	seq.s32 s10, $0x1;
	s10 =	sld [smem:$0x3FB6];
	_ =	sdelay $0x3  }
0x34: {  	[smem:$0x3FB6] =	sst s10  }
0x35: {  	s10 =	sld [smem:$0x3FB5];
	_ =	sdelay $0x3  }
0x36: {  	p1 =	seq.s32 s10, $0x1;
	s10 =	sld [smem:$0x3FB6];
	_ =	sdelay $0x3  }
0x37: {  	[smem:$0x3FB6] =	sst s10  }
0x38: {  	s10 =	sld [smem:$0x3FB7]  }
0x39: {  	_ = 	snop;
	(pc) =	sbr.ind lr, $3  }
0x3a: {  	_ = 	snop  }
0x3b: {  	_ = 	snop  }
0x3c: {  	p2 =	seq.s32 s10, $0x1;
	s10 =	sld [smem:$0x3FB6]  }
0x3d: {  	_ =	shalt  }
0x3e: {  	_ =	shalt  }
0x3f: {  	_ =	shalt  }
0x40: {  	_ =	shalt  }
0x41: {  	_ =	shalt  }
0x42: {  	_ =	shalt  }
0x43: {  	_ =	shalt  }
0x44: {  	_ =	shalt  }
0x45: {  	_ =	shalt  }
0x46: {  	_ =	shalt  }
0x47: {  	_ =	shalt  }
0x48: {  	_ =	shalt  }
0x49: {  	_ =	shalt  }
0x4a: {  	_ =	shalt  }
0x4b: {  	_ =	shalt  }
0x4c: {  	_ =	shalt  }
0x4d: {  	_ =	shalt  }
0x4e: {  	_ =	shalt  }
0x4f: {  	_ =	shalt  }
0x50: {  	_ =	shalt  }
0x51: {  	_ =	shalt  }
0x52: {  	_ =	shalt  }
0x53: {  	_ =	shalt  }
0x54: {  	_ =	shalt  }
0x55: {  	_ =	shalt  }
0x56: {  	_ =	shalt  }
0x57: {  	_ =	shalt  }
0x58: {  	_ =	shalt  }
0x59: {  	_ =	shalt  }
0x5a: {  	_ =	shalt  }
0x5b: {  	_ =	shalt  }
0x5c: {  	_ =	shalt  }
0x5d: {  	_ =	shalt  }
0x5e: {  	_ =	shalt  }
0x5f: {  	_ =	shalt  }
0x60: {  	_ =	shalt  }
0x61: {  	_ =	shalt  }
0x62: {  	_ =	shalt  }
0x63: {  	_ =	shalt  }
0x64: {  	_ =	shalt  }
0x65: {  	_ =	shalt  }
0x66: {  	_ =	shalt  }
0x67: {  	_ =	shalt  }
0x68: {  	_ =	shalt  }
0x69: {  	_ =	shalt  }
0x6a: {  	_ =	shalt  }
0x6b: {  	_ =	shalt  }
0x6c: {  	_ =	shalt  }
0x6d: {  	_ =	shalt  }
0x6e: {  	_ =	shalt  }
0x6f: {  	_ =	shalt  }
0x70: {  	_ =	shalt  }
0x71: {  	_ =	shalt  }
0x72: {  	_ =	shalt  }
0x73: {  	_ =	shalt  }
0x74: {  	_ =	shalt  }
0x75: {  	_ =	shalt  }
0x76: {  	_ =	shalt  }
0x77: {  	_ =	shalt  }
0x78: {  	_ =	shalt  }
0x79: {  	_ =	shalt  }
0x7a: {  	_ =	shalt  }
0x7b: {  	_ =	shalt  }
0x7c: {  	_ =	shalt  }
0x7d: {  	_ =	shalt  }
0x7e: {  	_ =	shalt  }
0x7f: {  	_ =	shalt  }
0x80: {  	_ =	shalt  }
0x81: {  	_ =	shalt  }
0x82: {  	_ =	shalt  }
0x83: {  	_ =	shalt  }
0x84: {  	_ =	shalt  }
0x85: {  	_ =	shalt  }
0x86: {  	_ =	shalt  }
0x87: {  	_ =	shalt  }
.Lfunc_end0:
.L_simem_size_0:
called_computation_lowered:
.L_overlay_start_0:
0x88: {  	s2 =	sld [smem:$0x3FD9]  }
0x89: {  	s3 =	sld [smem:$0x3FFE];
	_ =	sdelay $0x1  }
0x8a: {  	s1 =	srdreg.scid  }
0x8b: {  	s0 =	sand.u32 $0x1, s1  }
0x8c: {  	s17 =	sshll.u32 s0, $0xA;
	s2 =	sadd.s32 s3, s2  }
0x8d: {  	s2 =	sadd.s32 s2, s17  }
0x8e: {  	[smem:$0x3FC2] =	sst s2  }
0x8f: {  	_ = 	snop  }
0x90: {  	s2 =	sld [smem:$0x3FD0];
	(tm) =	ssettm $0x1  }
0x91: {  	s18 =	sld [smem:$0x3FFB];
	_ =	sdelay $0x3  }
0x92: {  	_ =	strace s18  }
0x93: {  	s3 =	sld [smem:$0x3FFC];
	_ =	sdelay $0x3  }
0x94: {  	_ =	strace s3  }
0x95: {  	s3 =	sld [smem:$0x3FFD];
	_ =	sdelay $0x3  }
0x96: {  	_ =	strace s3  }
0x97: {  	_ =	strace $0x8FFFFFFF  }
0x98: {  	s19 =	sld [smem:$0x3FDB];
	_ =	sdelay $0x1  }
0x99: {  	s4 =	simm.s32 $_scs_section_size  }
0x9a: {  	s5 =	simm.s32 $_size__tile_overlayer_lowered;
	s6 =	simm.s32 $_tile_overlayer_lowered  }
0x9b: {  	s22 =	simm.s32 $0x1BFF;
	s21 =	sshll.u32 s6, $0x1;
	s3 =	sadd.s32 s4, s19  }
0x9c: {  	s7 =	simm.s32 $0x0;
	s20 =	sshll.u32 s5, $0x1;
	s5 =	sadd.s32 s21, s3  }
0x9d: {  	[timem:s7], [sflag:s22] =	dma.local [hbm:s5], s20  }
0x9e: {  	_ =	swait.ge [sflag:s22], s20  }
0x9f: {  	s4 =	ssub.s32 $0x0, s20;
	[sflag:s22] =	ssyncset.done $0x0  }
0xa0: {  	[sflag:s22] =	ssyncadd.s32 s4;
	_ =	sdelay $0x1  }
0xa1: {  	s23 =	simm.s32 $0x1B8B  }
0xa2: {  	_ =	swait.ge [sflag:s23], $0x1  }
0xa3: {  	[sflag:s23] =	ssyncset.done $0x0  }
0xa4: {  	s25 =	simm.s32 $0x1B8E;
	s24 =	sld [smem:$0x3FFE];
	[sflag:s23] =	ssyncadd.s32 $0xFFFFFFFF  }
0xa5: {  	s26 =	simm.s32 $execute0_lowered;
	[smem:$0x3FD2] =	sst s25  }
0xa6: {  	s5 =	sshll.u32 s26, $0x1;
	_ =	strace $0x80000046;
	[dreg:$0x1] =	wrdreg $0xFFFFFFFF  }
0xa7: {  	s28 =	simm.s32 $_size_execute0_lowered;
	s3 =	sadd.s32 s3, s5;
	[dreg:$0x0] =	wrdreg $0x0  }
0xa8: {  	s5 =	sshll.u32 s28, $0x1;
	[dreg:$0x2] =	wrdreg s3  }
0xa9: {  	[dreg:$0x3] =	wrdreg s5  }
0xaa: {  	[dreg:$0x4] =	wrdreg $0xC0  }
0xab: {  	_ =	task [dreg:s7], $0x5FFFF  }
0xac: {  	[dreg:$0x1] =	wrdreg $0xFFFFFFFF  }
0xad: {  	[dreg:$0x0] =	wrdreg $0x60  }
0xae: {  	[dreg:$0x2] =	wrdreg s2  }
0xaf: {  	[dreg:$0x3] =	wrdreg s24  }
0xb0: {  	[dreg:$0x4] =	wrdreg $0x1000  }
0xb1: {  	[dreg:$0x5] =	wrdreg $0x9  }
0xb2: {  	_ =	task.clear_ibuf [dreg:s7], $0x6FFFF;
	_ =	strace $0x90000046  }
0xb3: {  	s29 =	simm.s32 $0x9;
	_ =	strace $0x80000048  }
0xb4: {  	_ =	swait.ge [sflag:s29], $0x1  }
0xb5: {  	[sflag:s29] =	ssyncadd.s32 $0xFFFFFFFF  }
0xb6: {  	_ =	strace $0x90000048  }
0xb7: {  	_ =	sfence  }
0xb8: {  	s30 =	sld [smem:$0x0];
	_ =	sdelay $0x2  }
0xb9: {  	s31 =	sshll.u32 s1, $0xD;
	s1 =	sshrl.u32 s1, $0x2  }
0xba: {  	s3 =	sand.u32 $0x4000, s31;
	s1 =	sadd.s32 s1, s30  }
0xbb: {  	s0 =	sor.u32 s3, s0;
	s1 =	sshll.u32 s1, $0x11  }
0xbc: {  	s0 =	sor.u32 s1, s0  }
0xbd: {  	s0 =	sadd.s32 $0x8F2B, s0  }
0xbe: {  	[sflag:s0] =	ssyncadd.remote.s32 $0x1  }
0xbf: {  	_ =	sfence.sel $0xFFFF  }
0xc0: {  	[dreg:$0x0] =	wrdreg $0xFFFFFFFF;
	(pc) =	sbr.abs _section_cstart, $3  }
0xc1: {  	[dreg:$0x1] =	wrdreg $0xFFFFFFFF  }
0xc2: {  	_ =	task.clear_ibuf [dreg:s7], $0x2FFFF;
	_ =	strace $0x9FFFFFFF  }
0xc3: {  	(tm) =	ssettm $0x7FFFFFFF  }
tec
execute0_lowered:
.L_overlay_start_1:
0x0: {  	(tag) =	ssettag $0x1  }
0x1: {  	s7 =	rddreg [dreg:$0x0]  }
0x2: {  	s6 =	rddreg [dreg:$0x1]  }
0x3: {  	s2 =	rddreg [dreg:$0x2]  }
0x4: {  	s0 =	rddreg [dreg:$0x3]  }
0x5: {  	s3 =	simm.s32 $0x0;
	s4 =	srdreg.scid;
	s1 =	stileid.u32  }
0x6: {  	s15 =	simm.s32 $0x0;
	[smem:$0x7FF] =	sst s3;
	s9 =	smul.u32 $0x500, s1  }
0x7: {  	s8 =	sand.u32 $0x1, s4;
	s4 =	sadd.s32 $0x1600, s6;
	s12 =	smul.u32 $0xA00, s1  }
0x8: {  	s5 =	sadd.s32 $0x1400, s6;
	s29 =	smul.u32 $0xA20, s1;
	s31 =	sshll.u32 s1, $0x6  }
0x9: {  	_ =	strace $0x80000047;
	s10 =	sshll.u32 s8, $0x7;
	s28 =	ssub.s32 $0x2, s8  }
0xa: {  	s13 =	smul.u32 $0x510, s8;
	s9 =	sor.u32 s10, s9;
	s11 =	sshrl.u32 s28, $0x1  }
0xb: {  	s30 =	sshrl.u32 s12, $0x2;
	s12 =	simm.s32 $0x80;
	s9 =	sshrl.u32 s9, $0x3  }
0xc: {  	s10 =	ssub.s32 s28, s11;
	s14 =	sadd.s32 s30, s2;
	s11 =	sadd.s32 s29, s7  }
0xd: {  	s9 =	sadd.s32 s9, s6;
	s6 =	sor.u32 $0x1C01, s31;
	s8 =	smax.u32 s10, $0x1  }
0xe: {  	s10 =	sshrl.u32 s14, $0x3;
	s14 =	simm.s32 $0x10;
	s7 =	sadd.s32 $0x1800, s9  }
0xf: {  	s9 =	sadd.s32 s13, s11;
	s11 =	simm.s32 $0x1;
	s13 =	simm.s32 $0x20  }
.LBB2_1:
0x10: {  	[spmem:s10], [sflag:s6] =	dma.local [hbm:s5], $0x50  }
0x11: {  	_ =	swait.ge [sflag:s11], $0x50  }
0x12: {  	[sflag:s11] =	ssyncset.done $0x0  }
0x13: {  	[sflag:s11] =	ssyncadd.s32 $0xFFFFFFB0  }
0x14: {  	[tilespmem:s12], [sflag:$0x1] =	stream.linear.gather [hbm4b:s4+s3], $0x80, $0x38;
	[tilespmem:$0x380] =	vst v63  }
0x15: {  	_ =	swait.ge [sflag:s11], $0x80  }
0x16: {  	[sflag:s11] =	ssyncset.done $0x0  }
0x17: {  	[sflag:s11] =	ssyncadd.s32 $0xFFFFFF80  }
0x18: {  	s16 =	sadd.s32 $0x0, s9;
	[bflag:$0x0] =	sbarrier.arrive $0xFFFF  }
0x19: {  	[tilespmem:s3], [sflag:$0x1] =	stream.linear.gather [hbm4b:s16+s3], $0x80, $0x38;
	[tilespmem:$0x380] =	vst v63  }
0x1a: {  	_ =	swait.ge [sflag:s11], $0x80  }
0x1b: {  	[sflag:s11] =	ssyncset.done $0x0  }
0x1c: {  	[sflag:s11] =	ssyncadd.s32 $0xFFFFFF80  }
0x1d: {  	[spmem:s2] =	stream.indirect.scatter.add.f32 [tilespmem:s12], [sflag:$0x1], $0x1, s3, s12, $0xb8;
	[tilespmem:$0x380] =	vst v63  }
0x1e: {  	_ =	swait.ge [sflag:s11], $0x80  }
0x1f: {  	s17 =	simm.s32 $0x20;
	s16 =	simm.s32 $0x10;
	[sflag:s11] =	ssyncset.done $0x0  }
.LBB2_2:
0x20: {  	s18 =	sadd.s32 s16, s9  }
0x21: {  	[sflag:s11] =	ssyncadd.s32 $0xFFFFFF80;
	s16 =	smov.u32 s17;
	s19 =	sadd.s32 $0x10, s17  }
0x22: {  	[tilespmem:s3], [sflag:$0x1] =	stream.linear.gather [hbm4b:s18+s3], $0x80, $0x38;
	[tilespmem:$0x380] =	vst v63  }
0x23: {  	p0 =	sne.s32 s17, $0x500;
	_ =	swait.ge [sflag:s11], $0x80  }
.Ltmp0:
0x24: {  	[sflag:s11] =	ssyncset.done $0x0;
	(pc) =	sbr.rel @p0 .LBB2_2-.Ltmp0, $4  }
0x25: {  	[sflag:s11] =	ssyncadd.s32 $0xFFFFFF80  }
0x26: {  	[spmem:s2] =	stream.indirect.scatter.add.f32 [tilespmem:s12], [sflag:$0x1], $0x1, s3, s12, $0xb8;
	[tilespmem:$0x380] =	vst v63  }
0x27: {  	_ =	swait.ge [sflag:s11], $0x80  }
0x28: {  	s17 =	smov.u32 s19;
	[sflag:s11] =	ssyncset.done $0x0  }
0x29: {  	s16 =	sadd.s32 s16, s9;
	[sflag:s11] =	ssyncadd.s32 $0xFFFFFF80  }
0x2a: {  	[tilespmem:s3], [sflag:$0x1] =	stream.linear.gather [hbm4b:s16+s3], $0x80, $0x38;
	[tilespmem:$0x380] =	vst v63  }
0x2b: {  	_ =	swait.ge [sflag:s11], $0x80  }
0x2c: {  	[sflag:s11] =	ssyncset.done $0x0  }
0x2d: {  	[sflag:s11] =	ssyncadd.s32 $0xFFFFFF80  }
0x2e: {  	[spmem:s2] =	stream.indirect.scatter.add.f32 [tilespmem:s12], [sflag:$0x1], $0x1, s3, s12, $0xb8;
	[tilespmem:$0x380] =	vst v63  }
0x2f: {  	_ =	swait.ge [sflag:s11], $0x80  }
0x30: {  	s15 =	sadd.s32 $0x1, s15;
	[sflag:s11] =	ssyncset.done $0x0  }
0x31: {  	p0 =	sne.s32 s15, s8;
	[sflag:s11] =	ssyncadd.s32 $0xFFFFFF80  }
.Ltmp1:
0x32: {  	[bflag:$0x0] =	sbarrier.arrive $0xFFFF;
	(pc) =	sbr.rel @p0 .LBB2_1-.Ltmp1, $4  }
0x33: {  	[hbm:s7@s13], [sflag:s6] =	dma.strided [spmem:s10@s14], $0x50, s11, $0x10   }
0x34: {  	_ =	swait.ge [sflag:s11], $0x50  }
0x35: {  	[sflag:s11] =	ssyncset.done $0x0  }
0x36: {  	[sflag:s11] =	ssyncadd.s32 $0xFFFFFFB0  }
0x37: {  	_ =	sfence.sel $0x180000  }
0x38: {  	[bflag:$0x0] =	sbarrier.arrive $0xFFFF  }
0x39: {  	p0 =	sne.s32 s1, $0x0;
	_ =	strace $0x90000047  }
0x3a: {  	s0 =	sadd.s32 @!p0 $0x100000, s0;
	[bflag:$0x2] =	sbarrier.arrive $0xFFFF  }
0x3b: {  	[sflag:s0] =	ssyncadd.tile.s32 @!p0 $0x1;
	_ =	shalt  }
.Lfunc_end2:
_tile_overlayer_lowered:
.L_overlay_start_2:
0x3c: {  	(tag) =	ssettag $0x2  }
0x3d: {  	s0 =	rddreg [dreg:$0x0];
	s2 =	stileid.u32  }
0x3e: {  	s1 =	rddreg [dreg:$0x1];
	p0 =	sne.s32 s2, $0x0  }
0x3f: {  	s3 =	rddreg [dreg:$0x2];
	[bflag:$0x3] =	sbarrier.arrive $0xFFFF;
	s2 =	simm.s32 @!p0 $0x1C01  }
0x40: {  	[timem:s3], [sflag:s2] =	dma.local @!p0 [hbm:s0], s1  }
0x41: {  	s0 =	simm.s32 @!p0 $0x1  }
0x42: {  	_ =	swait.ge @!p0 [sflag:s0], s1  }
0x43: {  	s1 =	ssub.s32 @!p0 $0x0, s1;
	[sflag:s0] =	ssyncset.done @!p0 $0x0  }
0x44: {  	[sflag:s0] =	ssyncadd.s32 @!p0 s1  }
0x45: {  	[bflag:$0x3] =	sbarrier.arrive $0xFFFF  }
0x46: {  	_ =	shalt  }

</sc_bundles>
